<compile_context>
chip_gen: v7x
topology: tpu7x:2x2x1
jax: 0.10.2.dev20260603
libtpu: 0.0.44.dev20260713+nightly
codegen_flags: <defaults>
</compile_context>

<pallas_src>
import functools

import jax
import jax.numpy as jnp
from jax import lax
from jax.experimental import pallas as pl
from jax.experimental.pallas import tpu as pltpu
from jax.experimental.pallas import tpu_sc as plsc

_NUM_FIELDS = 26
_VOCAB = 100000
_EMB_DIM = 32
_BATCH = 16384
_LANES = 16
_COL_CH = 4096
_N_CC = _BATCH // _COL_CH


def _sc_kernel(attrsT_hbm, tablesT_hbm, outT_hbm,
               row_v, col_a, col_b, acc_v, sem_a, sem_b):
    d = lax.axis_index("c") * 16 + lax.axis_index("s")
    cols = (col_a, col_b)
    sems = (sem_a, sem_b)

    @plsc.parallel_loop(0, _BATCH // _LANES, unroll=8)
    def zero_body(g):
        acc_v[pl.ds(g * _LANES, _LANES)] = jnp.zeros((_LANES,), jnp.float32)

    def field_body(i, carry):
        cps = {}
        cps[0] = pltpu.async_copy(
            attrsT_hbm.at[i, pl.ds(0, _COL_CH)], cols[0], sems[0])
        pltpu.sync_copy(tablesT_hbm.at[i, d], row_v)
        for cc in range(_N_CC):
            b0 = cc * _COL_CH
            if cc + 1 < _N_CC:
                cps[cc + 1] = pltpu.async_copy(
                    attrsT_hbm.at[i, pl.ds((cc + 1) * _COL_CH, _COL_CH)],
                    cols[(cc + 1) % 2], sems[(cc + 1) % 2])
            cps.pop(cc).wait()
            col_v = cols[cc % 2]

            @plsc.parallel_loop(0, _COL_CH // _LANES, unroll=32)
            def group_body(g, *, col_v=col_v, b0=b0):
                off = g * _LANES
                v16 = col_v[pl.ds(off, _LANES)]
                val = plsc.load_gather(row_v, [v16])
                plsc.addupdate(acc_v.at[pl.ds(b0 + off, _LANES)], val)

        return carry

    lax.fori_loop(0, _NUM_FIELDS, field_body, 0)
    pltpu.sync_copy(acc_v, outT_hbm.at[d])


@jax.jit
def kernel(attrs, tables):
    attrsT = attrs.astype(jnp.int32).T
    tablesT = jnp.transpose(tables, (0, 2, 1))
    run = functools.partial(
        pl.kernel,
        mesh=plsc.VectorSubcoreMesh(core_axis_name="c", subcore_axis_name="s"),
        compiler_params=pltpu.CompilerParams(needs_layout_passes=False),
        out_type=jax.ShapeDtypeStruct((_EMB_DIM, _BATCH), jnp.float32),
        scratch_types=[
            pltpu.VMEM((_VOCAB,), jnp.float32),
            pltpu.VMEM((_COL_CH,), jnp.int32),
            pltpu.VMEM((_COL_CH,), jnp.int32),
            pltpu.VMEM((_BATCH,), jnp.float32),
            pltpu.SemaphoreType.DMA,
            pltpu.SemaphoreType.DMA,
        ],
    )(_sc_kernel)
    outT = run(attrsT, tablesT)
    return outT.T

# --- scband reference (transcript-rebuilt; emitter-appended) ---
"""Pipeline reference for scband-attr-embed-linear-re-lu-34857954574863 (READ-ONLY COPY).

The authoritative reference and input builder live on the scoring server;
editing this copy changes nothing except your own understanding.
"""

import jax, jax.numpy as jnp
import numpy as np

NUM_FIELDS = 26
VOCAB = 100000
EMB_DIM = 32
BATCH = 16384


def setup_inputs(seed: int = 0) -> dict:
    key = jax.random.key(seed)
    k_attrs, k_tables = jax.random.split(key)
    attrs = jax.random.randint(k_attrs, (BATCH, NUM_FIELDS), 0, VOCAB, dtype=jnp.int64 if jax.config.jax_enable_x64 else jnp.int32)
    # xavier_uniform init for each embedding table: bound = sqrt(6/(fan_in+fan_out))
    bound = float(np.sqrt(6.0 / (VOCAB + EMB_DIM)))
    tables = jax.random.uniform(k_tables, (NUM_FIELDS, VOCAB, EMB_DIM), minval=-bound, maxval=bound, dtype=jnp.float32)
    return {"attrs": attrs, "tables": tables}


def reference(attrs, tables):
    # AttrEmbedLinearReLU.forward: sum embedding lookups over each attribute column.
    # Note: the original module computes self.trans(embed) but then overwrites
    # feat = embed, so the Linear/BatchNorm/ReLU output is discarded; the
    # returned value is just the summed embeddings.
    B = attrs.shape[0]
    embed = jnp.zeros((B, tables.shape[2]), dtype=tables.dtype)
    for i in range(tables.shape[0]):
        embed = embed + jnp.take(tables[i], attrs[:, i], axis=0)
    return embed

if __name__ == "__main__":
    import jax
    _d = setup_inputs()
    print(jax.jit(kernel)(*tuple(_d.values())))

</pallas_src>

<mosaic_0001>
#map = affine_map<(d0, d1) -> (0, 0)>
#map1 = affine_map<(d0, d1) -> (0, 0, 0)>
module attributes {stable_mosaic.version = 14 : i64} {
  func.func @_sc_kernel(%arg0: i32, %arg1: i32, %arg2: memref<26x16384xi32, #tpu.memory_space<hbm>>, %arg3: memref<26x32x100000xf32, #tpu.memory_space<hbm>>, %arg4: memref<32x16384xf32, #tpu.memory_space<hbm>>, %arg5: memref<100000xf32, #tpu.memory_space<vmem>>, %arg6: memref<4096xi32, #tpu.memory_space<vmem>>, %arg7: memref<4096xi32, #tpu.memory_space<vmem>>, %arg8: memref<16384xf32, #tpu.memory_space<vmem>>, %arg9: memref<!tpu.dma_semaphore, #tpu.memory_space<semaphore_mem>>, %arg10: memref<!tpu.dma_semaphore, #tpu.memory_space<semaphore_mem>>) attributes {dimension_semantics = [#tpu.dimension_semantics<core_parallel>, #tpu.dimension_semantics<subcore_parallel>], iteration_bounds = array<i64: 2, 16>, scalar_prefetch = 0 : i64, scratch_operands = 6 : i64, tpu.core_type = #tpu.core_type<sc_vector_subcore>, window_params = [{transform_indices = #map}, {transform_indices = #map1}, {transform_indices = #map}]} {
    %mul3A = arith.constant 16 : i32
    %mul3A_0 = arith.muli %arg0, %mul3A : i32
    %add3A = arith.addi %mul3A_0, %arg1 : i32
    %parallel_loop3A = arith.constant 0 : i32
    %parallel_loop3A_1 = arith.constant 1024 : i32
    %parallel_loop3A_2 = arith.constant 1 : i32
    scf.for %parallel_loop3A_8 = %parallel_loop3A to %parallel_loop3A_1 step %parallel_loop3A_2  : i32 {
      %parallel_loop3A_9 = arith.constant 0.000000e+00 : f32
      %parallel_loop3A_10 = vector.broadcast %parallel_loop3A_9 : f32 to vector<16xf32>
      %parallel_loop3A_11 = arith.constant 16 : i32
      %parallel_loop3A_12 = arith.muli %parallel_loop3A_8, %parallel_loop3A_11 : i32
      %parallel_loop3A_13 = arith.index_cast %parallel_loop3A_12 : i32 to index
      %parallel_loop3A_14 = tpu.vector_load %arg8[%parallel_loop3A_13] {strides = array<i32>} : memref<16384xf32, #tpu.memory_space<vmem>>, vector<16xf32>,
      tpu.vector_store %arg8[%parallel_loop3A_13], %parallel_loop3A_10 {strides = array<i32>} : memref<16384xf32, #tpu.memory_space<vmem>>, vector<16xf32>,
    } {sc.loop_unroll_factor = 8 : i64, sc.parallel_access}
    %scan3A = arith.constant 0 : i32
    %scan3A_3 = arith.constant 0 : i32
    %scan3A_4 = arith.constant 26 : i32
    %scan3A_5 = arith.addi %scan3A_3, %scan3A_4 : i32
    %scan3A_6 = arith.constant 1 : i32
    scf.for %scan3A_8 = %scan3A_3 to %scan3A_5 step %scan3A_6  : i32 {
      %dma_start3A = arith.constant 0 : i32
      %dma_start3A_9 = tpu.memref_slice %arg2[%scan3A_8, %dma_start3A] : memref<26x16384xi32, #tpu.memory_space<hbm>> -> memref<1x4096xi32, #tpu.memory_space<hbm>>
      %dma_start3A_10 = tpu.memref_squeeze %dma_start3A_9 : memref<1x4096xi32, #tpu.memory_space<hbm>> -> memref<4096xi32, #tpu.memory_space<hbm>>
      %dma_start3A_11 = arith.constant 0 : i32
      %dma_start3A_12 = tpu.memref_slice %arg2[%scan3A_8, %dma_start3A_11] : memref<26x16384xi32, #tpu.memory_space<hbm>> -> memref<1x4096xi32, #tpu.memory_space<hbm>>
      %dma_start3A_13 = tpu.memref_squeeze %dma_start3A_12 : memref<1x4096xi32, #tpu.memory_space<hbm>> -> memref<4096xi32, #tpu.memory_space<hbm>>
      tpu.enqueue_dma source(%dma_start3A_13 : memref<4096xi32, #tpu.memory_space<hbm>>) target(%arg6 : memref<4096xi32, #tpu.memory_space<vmem>>) target_semaphore(%arg9 : memref<!tpu.dma_semaphore, #tpu.memory_space<semaphore_mem>>)
      "tpu.region"() ({
        %run_scoped3A = tpu.sem_alloc : memref<!tpu.dma_semaphore, #tpu.memory_space<semaphore_mem>>
        %dma_start3A_67 = arith.constant 0 : i32
        %dma_start3A_68 = tpu.memref_slice %arg3[%scan3A_8, %add3A, %dma_start3A_67] : memref<26x32x100000xf32, #tpu.memory_space<hbm>> -> memref<1x1x100000xf32, #tpu.memory_space<hbm>>
        %dma_start3A_69 = tpu.memref_squeeze %dma_start3A_68 : memref<1x1x100000xf32, #tpu.memory_space<hbm>> -> memref<100000xf32, #tpu.memory_space<hbm>>
        %dma_start3A_70 = arith.constant 0 : i32
        %dma_start3A_71 = tpu.memref_slice %arg3[%scan3A_8, %add3A, %dma_start3A_70] : memref<26x32x100000xf32, #tpu.memory_space<hbm>> -> memref<1x1x100000xf32, #tpu.memory_space<hbm>>
        %dma_start3A_72 = tpu.memref_squeeze %dma_start3A_71 : memref<1x1x100000xf32, #tpu.memory_space<hbm>> -> memref<100000xf32, #tpu.memory_space<hbm>>
        tpu.enqueue_dma source(%dma_start3A_72 : memref<100000xf32, #tpu.memory_space<hbm>>) target(%arg5 : memref<100000xf32, #tpu.memory_space<vmem>>) target_semaphore(%run_scoped3A : memref<!tpu.dma_semaphore, #tpu.memory_space<semaphore_mem>>)
        %dma_wait3A_73 = arith.constant 0 : i32
        %dma_wait3A_74 = tpu.memref_slice %arg3[%scan3A_8, %add3A, %dma_wait3A_73] : memref<26x32x100000xf32, #tpu.memory_space<hbm>> -> memref<1x1x100000xf32, #tpu.memory_space<hbm>>
        %dma_wait3A_75 = tpu.memref_squeeze %dma_wait3A_74 : memref<1x1x100000xf32, #tpu.memory_space<hbm>> -> memref<100000xf32, #tpu.memory_space<hbm>>
        %dma_wait3A_76 = arith.constant 0 : i32
        %dma_wait3A_77 = tpu.memref_slice %arg3[%scan3A_8, %add3A, %dma_wait3A_76] : memref<26x32x100000xf32, #tpu.memory_space<hbm>> -> memref<1x1x100000xf32, #tpu.memory_space<hbm>>
        %dma_wait3A_78 = tpu.memref_squeeze %dma_wait3A_77 : memref<1x1x100000xf32, #tpu.memory_space<hbm>> -> memref<100000xf32, #tpu.memory_space<hbm>>
        tpu.wait_dma2 semaphore(%run_scoped3A : memref<!tpu.dma_semaphore, #tpu.memory_space<semaphore_mem>>) src(%dma_wait3A_78 : memref<100000xf32, #tpu.memory_space<hbm>>) dst(%arg5 : memref<100000xf32, #tpu.memory_space<vmem>>)
        tpu.yield
      }) : () -> ()
      %dma_start3A_14 = arith.constant 4096 : i32
      %dma_start3A_15 = tpu.memref_slice %arg2[%scan3A_8, %dma_start3A_14] : memref<26x16384xi32, #tpu.memory_space<hbm>> -> memref<1x4096xi32, #tpu.memory_space<hbm>>
      %dma_start3A_16 = tpu.memref_squeeze %dma_start3A_15 : memref<1x4096xi32, #tpu.memory_space<hbm>> -> memref<4096xi32, #tpu.memory_space<hbm>>
      %dma_start3A_17 = arith.constant 4096 : i32
      %dma_start3A_18 = tpu.memref_slice %arg2[%scan3A_8, %dma_start3A_17] : memref<26x16384xi32, #tpu.memory_space<hbm>> -> memref<1x4096xi32, #tpu.memory_space<hbm>>
      %dma_start3A_19 = tpu.memref_squeeze %dma_start3A_18 : memref<1x4096xi32, #tpu.memory_space<hbm>> -> memref<4096xi32, #tpu.memory_space<hbm>>
      tpu.enqueue_dma source(%dma_start3A_19 : memref<4096xi32, #tpu.memory_space<hbm>>) target(%arg7 : memref<4096xi32, #tpu.memory_space<vmem>>) target_semaphore(%arg10 : memref<!tpu.dma_semaphore, #tpu.memory_space<semaphore_mem>>)
      %dma_wait3A = arith.constant 0 : i32
      %dma_wait3A_20 = tpu.memref_slice %arg2[%scan3A_8, %dma_wait3A] : memref<26x16384xi32, #tpu.memory_space<hbm>> -> memref<1x4096xi32, #tpu.memory_space<hbm>>
      %dma_wait3A_21 = tpu.memref_squeeze %dma_wait3A_20 : memref<1x4096xi32, #tpu.memory_space<hbm>> -> memref<4096xi32, #tpu.memory_space<hbm>>
      %dma_wait3A_22 = arith.constant 0 : i32
      %dma_wait3A_23 = tpu.memref_slice %arg2[%scan3A_8, %dma_wait3A_22] : memref<26x16384xi32, #tpu.memory_space<hbm>> -> memref<1x4096xi32, #tpu.memory_space<hbm>>
      %dma_wait3A_24 = tpu.memref_squeeze %dma_wait3A_23 : memref<1x4096xi32, #tpu.memory_space<hbm>> -> memref<4096xi32, #tpu.memory_space<hbm>>
      tpu.wait_dma2 semaphore(%arg9 : memref<!tpu.dma_semaphore, #tpu.memory_space<semaphore_mem>>) src(%dma_wait3A_24 : memref<4096xi32, #tpu.memory_space<hbm>>) dst(%arg6 : memref<4096xi32, #tpu.memory_space<vmem>>)
      %parallel_loop3A_25 = arith.constant 0 : i32
      %parallel_loop3A_26 = arith.constant 256 : i32
      %parallel_loop3A_27 = arith.constant 1 : i32
      scf.for %parallel_loop3A_67 = %parallel_loop3A_25 to %parallel_loop3A_26 step %parallel_loop3A_27  : i32 {
        %parallel_loop3A_68 = arith.constant 16 : i32
        %parallel_loop3A_69 = arith.muli %parallel_loop3A_67, %parallel_loop3A_68 : i32
        %parallel_loop3A_70 = arith.index_cast %parallel_loop3A_69 : i32 to index
        %parallel_loop3A_71 = tpu.vector_load %arg6[%parallel_loop3A_70] {strides = array<i32>} : memref<4096xi32, #tpu.memory_space<vmem>>, vector<16xi32>,
        %parallel_loop3A_72 = tpu.vector_load_idx %arg5[%parallel_loop3A_71] : memref<100000xf32, #tpu.memory_space<vmem>>[vector<16xi32>], vector<16xf32>,
        %parallel_loop3A_73 = arith.constant 0 : i32
        %parallel_loop3A_74 = arith.addi %parallel_loop3A_73, %parallel_loop3A_69 : i32
        %parallel_loop3A_75 = arith.index_cast %parallel_loop3A_74 : i32 to index
        %parallel_loop3A_76 = tpu.vector_load %arg8[%parallel_loop3A_75] {strides = array<i32>} : memref<16384xf32, #tpu.memory_space<vmem>>, vector<16xf32>,
        tpu.vector_store %arg8[%parallel_loop3A_75], %parallel_loop3A_72 {add = true, strides = array<i32>} : memref<16384xf32, #tpu.memory_space<vmem>>, vector<16xf32>,
      } {sc.loop_unroll_factor = 32 : i64, sc.parallel_access}
      %dma_start3A_28 = arith.constant 8192 : i32
      %dma_start3A_29 = tpu.memref_slice %arg2[%scan3A_8, %dma_start3A_28] : memref<26x16384xi32, #tpu.memory_space<hbm>> -> memref<1x4096xi32, #tpu.memory_space<hbm>>
      %dma_start3A_30 = tpu.memref_squeeze %dma_start3A_29 : memref<1x4096xi32, #tpu.memory_space<hbm>> -> memref<4096xi32, #tpu.memory_space<hbm>>
      %dma_start3A_31 = arith.constant 8192 : i32
      %dma_start3A_32 = tpu.memref_slice %arg2[%scan3A_8, %dma_start3A_31] : memref<26x16384xi32, #tpu.memory_space<hbm>> -> memref<1x4096xi32, #tpu.memory_space<hbm>>
      %dma_start3A_33 = tpu.memref_squeeze %dma_start3A_32 : memref<1x4096xi32, #tpu.memory_space<hbm>> -> memref<4096xi32, #tpu.memory_space<hbm>>
      tpu.enqueue_dma source(%dma_start3A_33 : memref<4096xi32, #tpu.memory_space<hbm>>) target(%arg6 : memref<4096xi32, #tpu.memory_space<vmem>>) target_semaphore(%arg9 : memref<!tpu.dma_semaphore, #tpu.memory_space<semaphore_mem>>)
      %dma_wait3A_34 = arith.constant 4096 : i32
      %dma_wait3A_35 = tpu.memref_slice %arg2[%scan3A_8, %dma_wait3A_34] : memref<26x16384xi32, #tpu.memory_space<hbm>> -> memref<1x4096xi32, #tpu.memory_space<hbm>>
      %dma_wait3A_36 = tpu.memref_squeeze %dma_wait3A_35 : memref<1x4096xi32, #tpu.memory_space<hbm>> -> memref<4096xi32, #tpu.memory_space<hbm>>
      %dma_wait3A_37 = arith.constant 4096 : i32
      %dma_wait3A_38 = tpu.memref_slice %arg2[%scan3A_8, %dma_wait3A_37] : memref<26x16384xi32, #tpu.memory_space<hbm>> -> memref<1x4096xi32, #tpu.memory_space<hbm>>
      %dma_wait3A_39 = tpu.memref_squeeze %dma_wait3A_38 : memref<1x4096xi32, #tpu.memory_space<hbm>> -> memref<4096xi32, #tpu.memory_space<hbm>>
      tpu.wait_dma2 semaphore(%arg10 : memref<!tpu.dma_semaphore, #tpu.memory_space<semaphore_mem>>) src(%dma_wait3A_39 : memref<4096xi32, #tpu.memory_space<hbm>>) dst(%arg7 : memref<4096xi32, #tpu.memory_space<vmem>>)
      %parallel_loop3A_40 = arith.constant 0 : i32
      %parallel_loop3A_41 = arith.constant 256 : i32
      %parallel_loop3A_42 = arith.constant 1 : i32
      scf.for %parallel_loop3A_67 = %parallel_loop3A_40 to %parallel_loop3A_41 step %parallel_loop3A_42  : i32 {
        %parallel_loop3A_68 = arith.constant 16 : i32
        %parallel_loop3A_69 = arith.muli %parallel_loop3A_67, %parallel_loop3A_68 : i32
        %parallel_loop3A_70 = arith.index_cast %parallel_loop3A_69 : i32 to index
        %parallel_loop3A_71 = tpu.vector_load %arg7[%parallel_loop3A_70] {strides = array<i32>} : memref<4096xi32, #tpu.memory_space<vmem>>, vector<16xi32>,
        %parallel_loop3A_72 = tpu.vector_load_idx %arg5[%parallel_loop3A_71] : memref<100000xf32, #tpu.memory_space<vmem>>[vector<16xi32>], vector<16xf32>,
        %parallel_loop3A_73 = arith.constant 4096 : i32
        %parallel_loop3A_74 = arith.addi %parallel_loop3A_73, %parallel_loop3A_69 : i32
        %parallel_loop3A_75 = arith.index_cast %parallel_loop3A_74 : i32 to index
        %parallel_loop3A_76 = tpu.vector_load %arg8[%parallel_loop3A_75] {strides = array<i32>} : memref<16384xf32, #tpu.memory_space<vmem>>, vector<16xf32>,
        tpu.vector_store %arg8[%parallel_loop3A_75], %parallel_loop3A_72 {add = true, strides = array<i32>} : memref<16384xf32, #tpu.memory_space<vmem>>, vector<16xf32>,
      } {sc.loop_unroll_factor = 32 : i64, sc.parallel_access}
      %dma_start3A_43 = arith.constant 12288 : i32
      %dma_start3A_44 = tpu.memref_slice %arg2[%scan3A_8, %dma_start3A_43] : memref<26x16384xi32, #tpu.memory_space<hbm>> -> memref<1x4096xi32, #tpu.memory_space<hbm>>
      %dma_start3A_45 = tpu.memref_squeeze %dma_start3A_44 : memref<1x4096xi32, #tpu.memory_space<hbm>> -> memref<4096xi32, #tpu.memory_space<hbm>>
      %dma_start3A_46 = arith.constant 12288 : i32
      %dma_start3A_47 = tpu.memref_slice %arg2[%scan3A_8, %dma_start3A_46] : memref<26x16384xi32, #tpu.memory_space<hbm>> -> memref<1x4096xi32, #tpu.memory_space<hbm>>
      %dma_start3A_48 = tpu.memref_squeeze %dma_start3A_47 : memref<1x4096xi32, #tpu.memory_space<hbm>> -> memref<4096xi32, #tpu.memory_space<hbm>>
      tpu.enqueue_dma source(%dma_start3A_48 : memref<4096xi32, #tpu.memory_space<hbm>>) target(%arg7 : memref<4096xi32, #tpu.memory_space<vmem>>) target_semaphore(%arg10 : memref<!tpu.dma_semaphore, #tpu.memory_space<semaphore_mem>>)
      %dma_wait3A_49 = arith.constant 8192 : i32
      %dma_wait3A_50 = tpu.memref_slice %arg2[%scan3A_8, %dma_wait3A_49] : memref<26x16384xi32, #tpu.memory_space<hbm>> -> memref<1x4096xi32, #tpu.memory_space<hbm>>
      %dma_wait3A_51 = tpu.memref_squeeze %dma_wait3A_50 : memref<1x4096xi32, #tpu.memory_space<hbm>> -> memref<4096xi32, #tpu.memory_space<hbm>>
      %dma_wait3A_52 = arith.constant 8192 : i32
      %dma_wait3A_53 = tpu.memref_slice %arg2[%scan3A_8, %dma_wait3A_52] : memref<26x16384xi32, #tpu.memory_space<hbm>> -> memref<1x4096xi32, #tpu.memory_space<hbm>>
      %dma_wait3A_54 = tpu.memref_squeeze %dma_wait3A_53 : memref<1x4096xi32, #tpu.memory_space<hbm>> -> memref<4096xi32, #tpu.memory_space<hbm>>
      tpu.wait_dma2 semaphore(%arg9 : memref<!tpu.dma_semaphore, #tpu.memory_space<semaphore_mem>>) src(%dma_wait3A_54 : memref<4096xi32, #tpu.memory_space<hbm>>) dst(%arg6 : memref<4096xi32, #tpu.memory_space<vmem>>)
      %parallel_loop3A_55 = arith.constant 0 : i32
      %parallel_loop3A_56 = arith.constant 256 : i32
      %parallel_loop3A_57 = arith.constant 1 : i32
      scf.for %parallel_loop3A_67 = %parallel_loop3A_55 to %parallel_loop3A_56 step %parallel_loop3A_57  : i32 {
        %parallel_loop3A_68 = arith.constant 16 : i32
        %parallel_loop3A_69 = arith.muli %parallel_loop3A_67, %parallel_loop3A_68 : i32
        %parallel_loop3A_70 = arith.index_cast %parallel_loop3A_69 : i32 to index
        %parallel_loop3A_71 = tpu.vector_load %arg6[%parallel_loop3A_70] {strides = array<i32>} : memref<4096xi32, #tpu.memory_space<vmem>>, vector<16xi32>,
        %parallel_loop3A_72 = tpu.vector_load_idx %arg5[%parallel_loop3A_71] : memref<100000xf32, #tpu.memory_space<vmem>>[vector<16xi32>], vector<16xf32>,
        %parallel_loop3A_73 = arith.constant 8192 : i32
        %parallel_loop3A_74 = arith.addi %parallel_loop3A_73, %parallel_loop3A_69 : i32
        %parallel_loop3A_75 = arith.index_cast %parallel_loop3A_74 : i32 to index
        %parallel_loop3A_76 = tpu.vector_load %arg8[%parallel_loop3A_75] {strides = array<i32>} : memref<16384xf32, #tpu.memory_space<vmem>>, vector<16xf32>,
        tpu.vector_store %arg8[%parallel_loop3A_75], %parallel_loop3A_72 {add = true, strides = array<i32>} : memref<16384xf32, #tpu.memory_space<vmem>>, vector<16xf32>,
      } {sc.loop_unroll_factor = 32 : i64, sc.parallel_access}
      %dma_wait3A_58 = arith.constant 12288 : i32
      %dma_wait3A_59 = tpu.memref_slice %arg2[%scan3A_8, %dma_wait3A_58] : memref<26x16384xi32, #tpu.memory_space<hbm>> -> memref<1x4096xi32, #tpu.memory_space<hbm>>
      %dma_wait3A_60 = tpu.memref_squeeze %dma_wait3A_59 : memref<1x4096xi32, #tpu.memory_space<hbm>> -> memref<4096xi32, #tpu.memory_space<hbm>>
      %dma_wait3A_61 = arith.constant 12288 : i32
      %dma_wait3A_62 = tpu.memref_slice %arg2[%scan3A_8, %dma_wait3A_61] : memref<26x16384xi32, #tpu.memory_space<hbm>> -> memref<1x4096xi32, #tpu.memory_space<hbm>>
      %dma_wait3A_63 = tpu.memref_squeeze %dma_wait3A_62 : memref<1x4096xi32, #tpu.memory_space<hbm>> -> memref<4096xi32, #tpu.memory_space<hbm>>
      tpu.wait_dma2 semaphore(%arg10 : memref<!tpu.dma_semaphore, #tpu.memory_space<semaphore_mem>>) src(%dma_wait3A_63 : memref<4096xi32, #tpu.memory_space<hbm>>) dst(%arg7 : memref<4096xi32, #tpu.memory_space<vmem>>)
      %parallel_loop3A_64 = arith.constant 0 : i32
      %parallel_loop3A_65 = arith.constant 256 : i32
      %parallel_loop3A_66 = arith.constant 1 : i32
      scf.for %parallel_loop3A_67 = %parallel_loop3A_64 to %parallel_loop3A_65 step %parallel_loop3A_66  : i32 {
        %parallel_loop3A_68 = arith.constant 16 : i32
        %parallel_loop3A_69 = arith.muli %parallel_loop3A_67, %parallel_loop3A_68 : i32
        %parallel_loop3A_70 = arith.index_cast %parallel_loop3A_69 : i32 to index
        %parallel_loop3A_71 = tpu.vector_load %arg7[%parallel_loop3A_70] {strides = array<i32>} : memref<4096xi32, #tpu.memory_space<vmem>>, vector<16xi32>,
        %parallel_loop3A_72 = tpu.vector_load_idx %arg5[%parallel_loop3A_71] : memref<100000xf32, #tpu.memory_space<vmem>>[vector<16xi32>], vector<16xf32>,
        %parallel_loop3A_73 = arith.constant 12288 : i32
        %parallel_loop3A_74 = arith.addi %parallel_loop3A_73, %parallel_loop3A_69 : i32
        %parallel_loop3A_75 = arith.index_cast %parallel_loop3A_74 : i32 to index
        %parallel_loop3A_76 = tpu.vector_load %arg8[%parallel_loop3A_75] {strides = array<i32>} : memref<16384xf32, #tpu.memory_space<vmem>>, vector<16xf32>,
        tpu.vector_store %arg8[%parallel_loop3A_75], %parallel_loop3A_72 {add = true, strides = array<i32>} : memref<16384xf32, #tpu.memory_space<vmem>>, vector<16xf32>,
      } {sc.loop_unroll_factor = 32 : i64, sc.parallel_access}
    }
    %scan3A_7 = arith.constant 26 : i32
    "tpu.region"() ({
      %run_scoped3A = tpu.sem_alloc : memref<!tpu.dma_semaphore, #tpu.memory_space<semaphore_mem>>
      %dma_start3A = arith.constant 0 : i32
      %dma_start3A_8 = tpu.memref_slice %arg4[%add3A, %dma_start3A] : memref<32x16384xf32, #tpu.memory_space<hbm>> -> memref<1x16384xf32, #tpu.memory_space<hbm>>
      %dma_start3A_9 = tpu.memref_squeeze %dma_start3A_8 : memref<1x16384xf32, #tpu.memory_space<hbm>> -> memref<16384xf32, #tpu.memory_space<hbm>>
      %dma_start3A_10 = arith.constant 0 : i32
      %dma_start3A_11 = tpu.memref_slice %arg4[%add3A, %dma_start3A_10] : memref<32x16384xf32, #tpu.memory_space<hbm>> -> memref<1x16384xf32, #tpu.memory_space<hbm>>
      %dma_start3A_12 = tpu.memref_squeeze %dma_start3A_11 : memref<1x16384xf32, #tpu.memory_space<hbm>> -> memref<16384xf32, #tpu.memory_space<hbm>>
      tpu.enqueue_dma source(%arg8 : memref<16384xf32, #tpu.memory_space<vmem>>) target(%dma_start3A_12 : memref<16384xf32, #tpu.memory_space<hbm>>) target_semaphore(%run_scoped3A : memref<!tpu.dma_semaphore, #tpu.memory_space<semaphore_mem>>)
      %dma_wait3A = arith.constant 0 : i32
      %dma_wait3A_13 = tpu.memref_slice %arg4[%add3A, %dma_wait3A] : memref<32x16384xf32, #tpu.memory_space<hbm>> -> memref<1x16384xf32, #tpu.memory_space<hbm>>
      %dma_wait3A_14 = tpu.memref_squeeze %dma_wait3A_13 : memref<1x16384xf32, #tpu.memory_space<hbm>> -> memref<16384xf32, #tpu.memory_space<hbm>>
      %dma_wait3A_15 = arith.constant 0 : i32
      %dma_wait3A_16 = tpu.memref_slice %arg4[%add3A, %dma_wait3A_15] : memref<32x16384xf32, #tpu.memory_space<hbm>> -> memref<1x16384xf32, #tpu.memory_space<hbm>>
      %dma_wait3A_17 = tpu.memref_squeeze %dma_wait3A_16 : memref<1x16384xf32, #tpu.memory_space<hbm>> -> memref<16384xf32, #tpu.memory_space<hbm>>
      tpu.wait_dma2 semaphore(%run_scoped3A : memref<!tpu.dma_semaphore, #tpu.memory_space<semaphore_mem>>) src(%arg8 : memref<16384xf32, #tpu.memory_space<vmem>>) dst(%dma_wait3A_17 : memref<16384xf32, #tpu.memory_space<hbm>>)
      tpu.yield
    }) : () -> ()
    return
  }
}

</mosaic_0001>

<sc_bundles>
// kernel: kernel.3.cloned.1.call-start
scs
__scs_entry_jumppad:
0x0: {  	(pc) =	sbr.rel $0x88, $3  }
0x1: {  	(tag) =	ssettag $0x0;
	lr =	simm.s32 $0x1  }
0x2: {  	[smem:$0x3F9F] =	sst lr;
	_ =	strace $0xD0000000  }
0x3: {  	_ = 	snop  }
0x4: {  	_ = 	snop  }
0x5: {  	_ = 	snop  }
0x6: {  	_ = 	snop  }
0x7: {  	_ = 	snop  }
__scs_overlays_trampoline_lowered:
0x8: {  	[smem:$0x3FAE] =	sst s0  }
0x9: {  	[smem:$0x3FAF] =	sst s1  }
0xa: {  	[smem:$0x3FB0] =	sst s2  }
0xb: {  	[smem:$0x3FB1] =	sst s3  }
0xc: {  	[smem:$0x3FB2] =	sst s4  }
0xd: {  	[smem:$0x3FB3] =	sst s5  }
0xe: {  	[smem:$0x3FB4] =	sst s6  }
0xf: {  	[smem:$0x3FB5] =	sst s7  }
0x10: {  	[smem:$0x3FB6] =	sst s8  }
0x11: {  	[smem:$0x3FB7] =	sst s9;
	s0 =	simm.s32 @!p0 $0x0  }
0x12: {  	s1 =	sld [smem:$0x3F9D];
	s0 =	simm.s32 @p0 $0x1  }
0x13: {  	[smem:$0x3FB8] =	sst s0;
	s0 =	simm.s32 @!p1 $0x0  }
0x14: {  	s2 =	sld [smem:$0x3F9C];
	s0 =	simm.s32 @p1 $0x1  }
0x15: {  	[smem:$0x3FB9] =	sst s0;
	s0 =	simm.s32 @!p2 $0x0  }
0x16: {  	s3 =	sld [smem:$0x3FDB];
	s0 =	simm.s32 @p2 $0x1  }
0x17: {  	s4 =	simm.s32 $0x1BF5;
	[smem:$0x3FBB] =	sst s0  }
0x18: {  	s0 =	sld [smem:$0x3F9E];
	_ =	swait.ge [sflag:s4], $0x0  }
0x19: {  	s7 =	sld [smem:$0x3F9F]  }
0x1a: {  	s8 =	sadd.s32 $0xFFFFE003, lr  }
0x1b: {  	s9 =	sadd.s32 $0xFFFFFEF7, lr;
	s5 =	simm.s32 $0xFFFFFFFF;
	p2 =	slt.u32 s8, $0xFFFFF086  }
0x1c: {  	p1 =	slt.u32 s9, $0xF7A;
	s5 =	simm.s32 @!p2 $0x0  }
0x1d: {  	s5 =	simm.s32 @p1 $0x1;
	p0 =	seq.s32 s7, s2  }
0x1e: {  	s7 =	smul.u32 @!p0 $0xF7A, s2;
	p2 =	seq.s32 @!p0 s5, $0x0  }
0x1f: {  	s9 =	smul.u32 $0xF7A, s1;
	s8 =	simm.s32 @!p0 $0x1BF5;
	p2 =	por !p2, p0  }
0x20: {  	[sflag:s8] =	ssyncset.s32 @!p0 $0xFFFFF086;
	s6 =	sadd.s32 @!p0 s3, s7;
	s7 =	simm.s32 @!p0 $0x108  }
0x21: {  	s3 =	sadd.s32 s3, s9;
	s6 =	sadd.s32 @!p0 $0x88, s6;
	s7 =	simm.s32 @p2 $0x1082  }
0x22: {  	[simem:s7], [sflag:s8] =	dma.local @!p0 [hbm:s6], $0xF7A  }
0x23: {  	s9 =	sor.u32 $0xD0000000, s2;
	s6 =	simm.s32 $0x108;
	_ =	swait.ge @!p0 [sflag:s8], $0x0  }
0x24: {  	s3 =	sadd.s32 $0x88, s3;
	s6 =	simm.s32 @!p1 $0x1082;
	[sflag:s4] =	ssyncset.s32 $0xFFFFF086  }
0x25: {  	[simem:s6], [sflag:s4] =	dma.local [hbm:s3], $0xF7A  }
0x26: {  	[smem:$0x3F9F] =	sst s1;
	(tag) =	ssettag s2;
	_ =	strace s9  }
0x27: {  	s1 =	sld [smem:$0x3FAF]  }
0x28: {  	s2 =	sld [smem:$0x3FB0]  }
0x29: {  	s4 =	sld [smem:$0x3FB2]  }
0x2a: {  	p0 =	seq.s32 s5, $0x0;
	s5 =	sld [smem:$0x3FB3]  }
0x2b: {  	s6 =	sld [smem:$0x3FB4]  }
0x2c: {  	s7 =	sld [smem:$0x3FB5]  }
0x2d: {  	s3 =	simm.s32 $0x108;
	s8 =	sld [smem:$0x3FB6]  }
0x2e: {  	s3 =	simm.s32 @!p0 $0x1082;
	s9 =	sld [smem:$0x3FB7]  }
0x2f: {  	lr =	sadd.s32 s0, s3;
	s0 =	sld [smem:$0x3FAE]  }
0x30: {  	s3 =	sld [smem:$0x3FB1]  }
0x31: {  	[smem:$0x3FBA] =	sst s10  }
0x32: {  	s10 =	sld [smem:$0x3FB8];
	_ =	sdelay $0x3  }
0x33: {  	p0 =	seq.s32 s10, $0x1;
	s10 =	sld [smem:$0x3FBA];
	_ =	sdelay $0x3  }
0x34: {  	[smem:$0x3FBA] =	sst s10  }
0x35: {  	s10 =	sld [smem:$0x3FB9];
	_ =	sdelay $0x3  }
0x36: {  	p1 =	seq.s32 s10, $0x1;
	s10 =	sld [smem:$0x3FBA];
	_ =	sdelay $0x3  }
0x37: {  	[smem:$0x3FBA] =	sst s10  }
0x38: {  	s10 =	sld [smem:$0x3FBB]  }
0x39: {  	_ = 	snop;
	(pc) =	sbr.ind lr, $3  }
0x3a: {  	_ = 	snop  }
0x3b: {  	_ = 	snop  }
0x3c: {  	p2 =	seq.s32 s10, $0x1;
	s10 =	sld [smem:$0x3FBA]  }
0x3d: {  	_ =	shalt  }
0x3e: {  	_ =	shalt  }
0x3f: {  	_ =	shalt  }
0x40: {  	_ =	shalt  }
0x41: {  	_ =	shalt  }
0x42: {  	_ =	shalt  }
0x43: {  	_ =	shalt  }
0x44: {  	_ =	shalt  }
0x45: {  	_ =	shalt  }
0x46: {  	_ =	shalt  }
0x47: {  	_ =	shalt  }
0x48: {  	_ =	shalt  }
0x49: {  	_ =	shalt  }
0x4a: {  	_ =	shalt  }
0x4b: {  	_ =	shalt  }
0x4c: {  	_ =	shalt  }
0x4d: {  	_ =	shalt  }
0x4e: {  	_ =	shalt  }
0x4f: {  	_ =	shalt  }
0x50: {  	_ =	shalt  }
0x51: {  	_ =	shalt  }
0x52: {  	_ =	shalt  }
0x53: {  	_ =	shalt  }
0x54: {  	_ =	shalt  }
0x55: {  	_ =	shalt  }
0x56: {  	_ =	shalt  }
0x57: {  	_ =	shalt  }
0x58: {  	_ =	shalt  }
0x59: {  	_ =	shalt  }
0x5a: {  	_ =	shalt  }
0x5b: {  	_ =	shalt  }
0x5c: {  	_ =	shalt  }
0x5d: {  	_ =	shalt  }
0x5e: {  	_ =	shalt  }
0x5f: {  	_ =	shalt  }
0x60: {  	_ =	shalt  }
0x61: {  	_ =	shalt  }
0x62: {  	_ =	shalt  }
0x63: {  	_ =	shalt  }
0x64: {  	_ =	shalt  }
0x65: {  	_ =	shalt  }
0x66: {  	_ =	shalt  }
0x67: {  	_ =	shalt  }
0x68: {  	_ =	shalt  }
0x69: {  	_ =	shalt  }
0x6a: {  	_ =	shalt  }
0x6b: {  	_ =	shalt  }
0x6c: {  	_ =	shalt  }
0x6d: {  	_ =	shalt  }
0x6e: {  	_ =	shalt  }
0x6f: {  	_ =	shalt  }
0x70: {  	_ =	shalt  }
0x71: {  	_ =	shalt  }
0x72: {  	_ =	shalt  }
0x73: {  	_ =	shalt  }
0x74: {  	_ =	shalt  }
0x75: {  	_ =	shalt  }
0x76: {  	_ =	shalt  }
0x77: {  	_ =	shalt  }
0x78: {  	_ =	shalt  }
0x79: {  	_ =	shalt  }
0x7a: {  	_ =	shalt  }
0x7b: {  	_ =	shalt  }
0x7c: {  	_ =	shalt  }
0x7d: {  	_ =	shalt  }
0x7e: {  	_ =	shalt  }
0x7f: {  	_ =	shalt  }
0x80: {  	_ =	shalt  }
0x81: {  	_ =	shalt  }
0x82: {  	_ =	shalt  }
0x83: {  	_ =	shalt  }
0x84: {  	_ =	shalt  }
0x85: {  	_ =	shalt  }
0x86: {  	_ =	shalt  }
0x87: {  	_ =	shalt  }
.Lfunc_end0:
.L_simem_size_0:
called_computation_lowered:
.L_overlay_start_0:
0x88: {  	s2 =	sld [smem:$0x3FD9]  }
0x89: {  	s3 =	sld [smem:$0x3FFE];
	_ =	sdelay $0x1  }
0x8a: {  	s1 =	srdreg.scid  }
0x8b: {  	s0 =	sand.u32 $0x1, s1  }
0x8c: {  	s18 =	sshll.u32 s0, $0xA;
	s2 =	sadd.s32 s3, s2  }
0x8d: {  	s2 =	sadd.s32 s2, s18  }
0x8e: {  	[smem:$0x3FC6] =	sst s2  }
0x8f: {  	_ = 	snop  }
0x90: {  	s2 =	sld [smem:$0x3FC9]  }
0x91: {  	s19 =	sld [smem:$0x3FC8]  }
0x92: {  	s4 =	sld [smem:$0x3FD0];
	(tm) =	ssettm $0x1  }
0x93: {  	s5 =	sld [smem:$0x3FFB];
	_ =	sdelay $0x3  }
0x94: {  	_ =	strace s5  }
0x95: {  	s5 =	sld [smem:$0x3FFC];
	_ =	sdelay $0x3  }
0x96: {  	_ =	strace s5  }
0x97: {  	s5 =	sld [smem:$0x3FFD];
	_ =	sdelay $0x3  }
0x98: {  	_ =	strace s5  }
0x99: {  	_ =	strace $0x8FFFFFFF  }
0x9a: {  	s20 =	sld [smem:$0x3FDB];
	_ =	sdelay $0x1  }
0x9b: {  	s6 =	simm.s32 $_scs_section_size  }
0x9c: {  	s7 =	simm.s32 $_size__tile_overlayer_lowered;
	s8 =	simm.s32 $_tile_overlayer_lowered  }
0x9d: {  	s23 =	simm.s32 $0x1BFF;
	s22 =	sshll.u32 s8, $0x1;
	s5 =	sadd.s32 s6, s20  }
0x9e: {  	s9 =	simm.s32 $0x0;
	s21 =	sshll.u32 s7, $0x1;
	s7 =	sadd.s32 s22, s5  }
0x9f: {  	[timem:s9], [sflag:s23] =	dma.local [hbm:s7], s21  }
0xa0: {  	_ =	swait.ge [sflag:s23], s21  }
0xa1: {  	s6 =	ssub.s32 $0x0, s21;
	[sflag:s23] =	ssyncset.done $0x0  }
0xa2: {  	[sflag:s23] =	ssyncadd.s32 s6;
	_ =	sdelay $0x1  }
0xa3: {  	s24 =	simm.s32 $0x1B8B  }
0xa4: {  	_ =	swait.ge [sflag:s24], $0x1  }
0xa5: {  	[sflag:s24] =	ssyncset.done $0x0  }
0xa6: {  	s25 =	simm.s32 $0x1B8E;
	[sflag:s24] =	ssyncadd.s32 $0xFFFFFFFF  }
0xa7: {  	s26 =	simm.s32 $execute0_lowered;
	[smem:$0x3FD2] =	sst s25  }
0xa8: {  	s6 =	sshll.u32 s26, $0x1;
	_ =	strace $0x80000046;
	[dreg:$0x1] =	wrdreg $0xFFFFFFFF  }
0xa9: {  	s28 =	simm.s32 $_size_execute0_lowered;
	s5 =	sadd.s32 s5, s6;
	[dreg:$0x0] =	wrdreg $0x0  }
0xaa: {  	s6 =	sshll.u32 s28, $0x1;
	[dreg:$0x2] =	wrdreg s5  }
0xab: {  	[dreg:$0x3] =	wrdreg s6  }
0xac: {  	[dreg:$0x4] =	wrdreg $0xC0  }
0xad: {  	_ =	task [dreg:s9], $0x5FFFF  }
0xae: {  	[dreg:$0x1] =	wrdreg $0xFFFFFFFF  }
0xaf: {  	[dreg:$0x0] =	wrdreg $0x60  }
0xb0: {  	[dreg:$0x2] =	wrdreg s2  }
0xb1: {  	[dreg:$0x3] =	wrdreg s19  }
0xb2: {  	[dreg:$0x4] =	wrdreg s4  }
0xb3: {  	[dreg:$0x5] =	wrdreg $0x9  }
0xb4: {  	_ =	task.clear_ibuf [dreg:s9], $0x6FFFF;
	_ =	strace $0x90000046  }
0xb5: {  	s29 =	simm.s32 $0x9;
	_ =	strace $0x80000048  }
0xb6: {  	_ =	swait.ge [sflag:s29], $0x1  }
0xb7: {  	[sflag:s29] =	ssyncadd.s32 $0xFFFFFFFF  }
0xb8: {  	_ =	strace $0x90000048  }
0xb9: {  	_ =	sfence  }
0xba: {  	s30 =	sld [smem:$0x0];
	_ =	sdelay $0x2  }
0xbb: {  	s31 =	sshll.u32 s1, $0xD;
	s1 =	sshrl.u32 s1, $0x2  }
0xbc: {  	s3 =	sand.u32 $0x4000, s31;
	s1 =	sadd.s32 s1, s30  }
0xbd: {  	s0 =	sor.u32 s3, s0;
	s1 =	sshll.u32 s1, $0x11  }
0xbe: {  	s0 =	sor.u32 s1, s0  }
0xbf: {  	s0 =	sadd.s32 $0x8F2B, s0  }
0xc0: {  	[sflag:s0] =	ssyncadd.remote.s32 $0x1  }
0xc1: {  	_ =	sfence.sel $0xFFFF  }
0xc2: {  	[dreg:$0x0] =	wrdreg $0xFFFFFFFF;
	(pc) =	sbr.abs _section_cstart, $3  }
0xc3: {  	[dreg:$0x1] =	wrdreg $0xFFFFFFFF  }
0xc4: {  	_ =	task.clear_ibuf [dreg:s9], $0x2FFFF;
	_ =	strace $0x9FFFFFFF  }
0xc5: {  	(tm) =	ssettm $0x7FFFFFFF  }
tec
execute0_lowered:
.L_overlay_start_1:
0x0: {  	(tag) =	ssettag $0x1  }
0x1: {  	s0 =	rddreg [dreg:$0x0]  }
0x2: {  	s1 =	srdreg.scid;
	s3 =	rddreg [dreg:$0x1]  }
0x3: {  	s8 =	rddreg [dreg:$0x2];
	s2 =	stileid.u32;
	s4 =	simm.s32 $0x0  }
0x4: {  	s12 =	simm.s32 $0x400;
	s13 =	simm.s32 $0x18700;
	s14 =	simm.s32 $0x3  }
0x5: {  	s15 =	simm.s32 $0x19700;
	s16 =	simm.s32 $0x1;
	s17 =	simm.s32 $0x2  }
0x6: {  	s18 =	simm.s32 $0x1A700;
	s5 =	sand.u32 $0x1, s1;
	s1 =	rddreg [dreg:$0x3]  }
0x7: {  	s19 =	simm.s32 $0x0;
	[smem:$0x7FF] =	sst s4;
	s6 =	sshll.u32 s5, $0x4  }
0x8: {  	s9 =	sshll.u32 s2, $0x7;
	s31 =	sshll.u32 s2, $0x4;
	s7 =	sor.u32 s2, s6  }
0x9: {  	s5 =	ssub.s32 $0x2, s5;
	_ =	strace $0x80000047;
	s6 =	sshrl.u32 s7, $0x3  }
0xa: {  	s9 =	sand.u32 $0x380, s9;
	s10 =	sshrl.u32 s5, $0x1;
	s6 =	smul.u32 $0xC3800, s6  }
0xb: {  	s10 =	ssub.s32 s5, s10;
	s11 =	sshll.u32 s7, $0xB;
	s7 =	sadd.s32 $0x2000, s0  }
0xc: {  	s11 =	sand.u32 $0xC000, s11;
	s5 =	sor.u32 s9, s6;
	s9 =	sand.u32 $0x70, s31  }
0xd: {  	s10 =	smax.u32 s10, $0x1;
	s6 =	sadd.s32 $0x1000, s0;
	s9 =	sadd.s32 s8, s9  }
0xe: {  	v0 =	vimm.f32 $0.0e+00;
	s8 =	sadd.s32 $0x3000, s0;
	s9 =	sadd.s32 s11, s9;
	s11 =	simm.s32 $0x80  }
.LBB2_1:
0xf: {  	s20 =	simm.s32 $0x1A740  }
0x10: {  	[tilespmem:s20+$0xFFFFFFC0] =	vst v0  }
0x11: {  	[tilespmem:s20+$0x30] =	vst v0  }
0x12: {  	[tilespmem:s20+$0x20] =	vst v0  }
0x13: {  	[tilespmem:s20+$0x10] =	vst v0  }
0x14: {  	[tilespmem:s20+$0x0] =	vst v0  }
0x15: {  	[tilespmem:s20+$0xFFFFFFF0] =	vst v0  }
0x16: {  	s21 =	simm.s32 $0x0;
	[tilespmem:s20+$0xFFFFFFE0] =	vst v0  }
.LBB2_2:
0x17: {  	s21 =	sadd.s32 $0x8, s21;
	[tilespmem:s20+$0xFFFFFFD0] =	vst v0;
	s20 =	sadd.s32 $0x80, s20  }
0x18: {  	[tilespmem:s20+$0xFFFFFFC0] =	vst v0;
	p0 =	slt.u32 s21, $0x3F8  }
0x19: {  	[tilespmem:s20+$0x30] =	vst v0  }
.Ltmp0:
0x1a: {  	[tilespmem:s20+$0x20] =	vst v0;
	(pc) =	sbr.rel @p0 .LBB2_2-.Ltmp0, $4  }
0x1b: {  	[tilespmem:s20+$0x10] =	vst v0  }
0x1c: {  	[tilespmem:s20+$0x0] =	vst v0  }
0x1d: {  	[tilespmem:s20+$0xFFFFFFF0] =	vst v0  }
0x1e: {  	[tilespmem:s20+$0xFFFFFFE0] =	vst v0  }
0x1f: {  	[tilespmem:s20+$0xFFFFFFD0] =	vst v0;
	s20 =	simm.s32 $0x0;
	s21 =	simm.s32 $0x0  }
.LBB2_4:
0x20: {  	s22 =	sshll.u32 s21, $0xB;
	s23 =	sshll.u32 s21, $0x4  }
0x21: {  	s24 =	smul.u32 $0x30E000, s21;
	s22 =	sand.u32 $0xC000, s22;
	s23 =	sand.u32 $0x70, s23  }
0x22: {  	s22 =	sor.u32 s23, s22  }
0x23: {  	s30 =	sadd.s32 s5, s24;
	s23 =	sadd.s32 s0, s22  }
0x24: {  	[tilespmem:s13], [sflag:$0x1] =	stream.strided.gather [hbm4b:s23+s11], $0x1000, s12, s11, $0x38;
	[tilespmem:$0x1E700] =	vst v63  }
0x25: {  	s23 =	sshrl.u32 s30, $0x3  }
0x26: {  	s23 =	sadd.s32 s3, s23  }
0x27: {  	[tilespmem:s20], [sflag:$0x3] =	stream.strided.gather [hbm4b:s23+s11], $0x18700, s12, s11, $0x38;
	[tilespmem:$0x1E700] =	vst v63  }
0x28: {  	_ =	swait.ge [sflag:s14], $0x18700  }
0x29: {  	[sflag:s14] =	ssyncset.done $0x0  }
0x2a: {  	s31 =	sadd.s32 s22, s6;
	[sflag:s14] =	ssyncadd.s32 $0xFFFE7900  }
0x2b: {  	[tilespmem:s15], [sflag:$0x2] =	stream.strided.gather [hbm4b:s31+s11], $0x1000, s12, s11, $0x38;
	[tilespmem:$0x1E700] =	vst v63  }
0x2c: {  	_ =	swait.ge [sflag:s16], $0x1000  }
0x2d: {  	[sflag:s16] =	ssyncset.done $0x0  }
0x2e: {  	s23 =	simm.s32 $0x0;
	[sflag:s16] =	ssyncadd.s32 $0xFFFFF000  }
0x2f: {  	v1 =	vld [tilespmem:s23+$0x188F0]  }
0x30: {  	v2 =	vld [tilespmem:s23+$0x18700]  }
0x31: {  	v3 =	vld [tilespmem:s23+$0x18710]  }
0x32: {  	v4 =	vld [tilespmem:s23+$0x18720]  }
0x33: {  	v5 =	vld [tilespmem:s23+$0x18730]  }
0x34: {  	v6 =	vld [tilespmem:s23+$0x18740]  }
0x35: {  	v7 =	vld [tilespmem:s23+$0x18750]  }
0x36: {  	v8 =	vld [tilespmem:s23+$0x18760]  }
0x37: {  	v9 =	vld [tilespmem:s23+$0x18770]  }
0x38: {  	v10 =	vld [tilespmem:s23+$0x18780]  }
0x39: {  	v11 =	vld [tilespmem:s23+$0x18790]  }
0x3a: {  	v12 =	vld [tilespmem:s23+$0x187A0]  }
0x3b: {  	v13 =	vld [tilespmem:s23+$0x187B0]  }
0x3c: {  	v14 =	vld [tilespmem:s23+$0x187D0]  }
0x3d: {  	v15 =	vld [tilespmem:s23+$0x187E0]  }
0x3e: {  	v16 =	vld [tilespmem:s23+$0x187F0]  }
0x3f: {  	v17 =	vld [tilespmem:s23+$0x18800]  }
0x40: {  	v18 =	vld [tilespmem:s23+$0x18810]  }
0x41: {  	v19 =	vld [tilespmem:s23+$0x18820]  }
0x42: {  	v20 =	vld [tilespmem:s23+$0x18830]  }
0x43: {  	v21 =	vld [tilespmem:s23+$0x18840]  }
0x44: {  	v22 =	vld [tilespmem:s23+$0x18850]  }
0x45: {  	v23 =	vld [tilespmem:s23+$0x18860]  }
0x46: {  	v24 =	vld [tilespmem:s23+$0x18870]  }
0x47: {  	v25 =	vld [tilespmem:s23+$0x18880]  }
0x48: {  	v26 =	vld [tilespmem:s23+$0x18890]  }
0x49: {  	v27 =	vld [tilespmem:s23+$0x188A0]  }
0x4a: {  	v28 =	vld [tilespmem:s23+$0x188B0]  }
0x4b: {  	v29 =	vld [tilespmem:s23+$0x188C0]  }
0x4c: {  	v30 =	vld [tilespmem:s23+$0x188D0]  }
0x4d: {  	v31 =	vld [tilespmem:s23+$0x188E0]  }
0x4e: {  	v1 =	vld.idx.msk [tilespmem:v1+s4+$0x0], $0xffff  }
0x4f: {  	v2 =	vld.idx.msk [tilespmem:v2+s4+$0x0], $0xffff  }
0x50: {  	v3 =	vld.idx.msk [tilespmem:v3+s4+$0x0], $0xffff  }
0x51: {  	v4 =	vld.idx.msk [tilespmem:v4+s4+$0x0], $0xffff  }
0x52: {  	v5 =	vld.idx.msk [tilespmem:v5+s4+$0x0], $0xffff  }
0x53: {  	v6 =	vld.idx.msk [tilespmem:v6+s4+$0x0], $0xffff  }
0x54: {  	v7 =	vld.idx.msk [tilespmem:v7+s4+$0x0], $0xffff  }
0x55: {  	v8 =	vld.idx.msk [tilespmem:v8+s4+$0x0], $0xffff  }
0x56: {  	v9 =	vld.idx.msk [tilespmem:v9+s4+$0x0], $0xffff  }
0x57: {  	v10 =	vld.idx.msk [tilespmem:v10+s4+$0x0], $0xffff  }
0x58: {  	v11 =	vld.idx.msk [tilespmem:v11+s4+$0x0], $0xffff  }
0x59: {  	v12 =	vld.idx.msk [tilespmem:v12+s4+$0x0], $0xffff  }
0x5a: {  	v13 =	vld.idx.msk [tilespmem:v13+s4+$0x0], $0xffff  }
0x5b: {  	v14 =	vld.idx.msk [tilespmem:v14+s4+$0x0], $0xffff  }
0x5c: {  	v15 =	vld.idx.msk [tilespmem:v15+s4+$0x0], $0xffff  }
0x5d: {  	v16 =	vld.idx.msk [tilespmem:v16+s4+$0x0], $0xffff  }
0x5e: {  	v17 =	vld.idx.msk [tilespmem:v17+s4+$0x0], $0xffff  }
0x5f: {  	v18 =	vld.idx.msk [tilespmem:v18+s4+$0x0], $0xffff  }
0x60: {  	v19 =	vld.idx.msk [tilespmem:v19+s4+$0x0], $0xffff  }
0x61: {  	v20 =	vld.idx.msk [tilespmem:v20+s4+$0x0], $0xffff  }
0x62: {  	v21 =	vld.idx.msk [tilespmem:v21+s4+$0x0], $0xffff  }
0x63: {  	v22 =	vld.idx.msk [tilespmem:v22+s4+$0x0], $0xffff  }
0x64: {  	v23 =	vld.idx.msk [tilespmem:v23+s4+$0x0], $0xffff  }
0x65: {  	v24 =	vld.idx.msk [tilespmem:v24+s4+$0x0], $0xffff  }
0x66: {  	v25 =	vld.idx.msk [tilespmem:v25+s4+$0x0], $0xffff  }
0x67: {  	v26 =	vld.idx.msk [tilespmem:v26+s4+$0x0], $0xffff  }
0x68: {  	v27 =	vld.idx.msk [tilespmem:v27+s4+$0x0], $0xffff  }
0x69: {  	v28 =	vld.idx.msk [tilespmem:v28+s4+$0x0], $0xffff  }
0x6a: {  	v29 =	vld.idx.msk [tilespmem:v29+s4+$0x0], $0xffff  }
0x6b: {  	v30 =	vld.idx.msk [tilespmem:v30+s4+$0x0], $0xffff  }
0x6c: {  	[tilespmem:s23+$0x1A8F0] =	vst.add.f32.msk $0xffff, v1  }
0x6d: {  	v1 =	vld [tilespmem:s23+$0x187C0]  }
0x6e: {  	[tilespmem:s23+$0x1A700] =	vst.add.f32.msk $0xffff, v2  }
0x6f: {  	[tilespmem:s23+$0x1A710] =	vst.add.f32.msk $0xffff, v3  }
0x70: {  	[tilespmem:s23+$0x1A720] =	vst.add.f32.msk $0xffff, v4  }
0x71: {  	[tilespmem:s23+$0x1A730] =	vst.add.f32.msk $0xffff, v5  }
0x72: {  	[tilespmem:s23+$0x1A740] =	vst.add.f32.msk $0xffff, v6  }
0x73: {  	[tilespmem:s23+$0x1A750] =	vst.add.f32.msk $0xffff, v7  }
0x74: {  	[tilespmem:s23+$0x1A760] =	vst.add.f32.msk $0xffff, v8  }
0x75: {  	[tilespmem:s23+$0x1A770] =	vst.add.f32.msk $0xffff, v9  }
0x76: {  	[tilespmem:s23+$0x1A780] =	vst.add.f32.msk $0xffff, v10  }
0x77: {  	[tilespmem:s23+$0x1A790] =	vst.add.f32.msk $0xffff, v11  }
0x78: {  	[tilespmem:s23+$0x1A7A0] =	vst.add.f32.msk $0xffff, v12  }
0x79: {  	[tilespmem:s23+$0x1A7B0] =	vst.add.f32.msk $0xffff, v13  }
0x7a: {  	[tilespmem:s23+$0x1A7D0] =	vst.add.f32.msk $0xffff, v14  }
0x7b: {  	[tilespmem:s23+$0x1A7E0] =	vst.add.f32.msk $0xffff, v15  }
0x7c: {  	[tilespmem:s23+$0x1A7F0] =	vst.add.f32.msk $0xffff, v16  }
0x7d: {  	[tilespmem:s23+$0x1A800] =	vst.add.f32.msk $0xffff, v17  }
0x7e: {  	[tilespmem:s23+$0x1A810] =	vst.add.f32.msk $0xffff, v18  }
0x7f: {  	[tilespmem:s23+$0x1A820] =	vst.add.f32.msk $0xffff, v19  }
0x80: {  	[tilespmem:s23+$0x1A830] =	vst.add.f32.msk $0xffff, v20  }
0x81: {  	[tilespmem:s23+$0x1A840] =	vst.add.f32.msk $0xffff, v21  }
0x82: {  	[tilespmem:s23+$0x1A850] =	vst.add.f32.msk $0xffff, v22  }
0x83: {  	[tilespmem:s23+$0x1A860] =	vst.add.f32.msk $0xffff, v23  }
0x84: {  	[tilespmem:s23+$0x1A870] =	vst.add.f32.msk $0xffff, v24  }
0x85: {  	[tilespmem:s23+$0x1A880] =	vst.add.f32.msk $0xffff, v25  }
0x86: {  	[tilespmem:s23+$0x1A890] =	vst.add.f32.msk $0xffff, v26  }
0x87: {  	[tilespmem:s23+$0x1A8A0] =	vst.add.f32.msk $0xffff, v27  }
0x88: {  	v32 =	vld.idx.msk [tilespmem:v1+s4+$0x0], $0xffff  }
0x89: {  	v1 =	vld.idx.msk [tilespmem:v31+s4+$0x0], $0xffff  }
0x8a: {  	[tilespmem:s23+$0x1A8B0] =	vst.add.f32.msk $0xffff, v28  }
0x8b: {  	[tilespmem:s23+$0x1A8C0] =	vst.add.f32.msk $0xffff, v29  }
0x8c: {  	[tilespmem:s23+$0x1A8D0] =	vst.add.f32.msk $0xffff, v30  }
0x8d: {  	s25 =	simm.s32 $0x800;
	s24 =	simm.s32 $0x0;
	[tilespmem:s23+$0x1A7C0] =	vst.add.f32.msk $0xffff, v32  }
.LBB2_5:
0x8e: {  	s24 =	sadd.s32 $0x20, s24;
	[tilespmem:s23+$0x1A8E0] =	vst.add.f32.msk $0xffff, v1;
	s23 =	sshra.s32 s25, $0x2  }
0x8f: {  	v1 =	vld [tilespmem:s23+$0x188F0];
	p0 =	slt.u32 s24, $0xE0  }
0x90: {  	v2 =	vld [tilespmem:s23+$0x18700]  }
0x91: {  	v3 =	vld [tilespmem:s23+$0x18710]  }
0x92: {  	v4 =	vld [tilespmem:s23+$0x18720]  }
0x93: {  	v5 =	vld [tilespmem:s23+$0x18730]  }
0x94: {  	v6 =	vld [tilespmem:s23+$0x18740]  }
0x95: {  	v7 =	vld [tilespmem:s23+$0x18750]  }
0x96: {  	v8 =	vld [tilespmem:s23+$0x18760]  }
0x97: {  	v1 =	vld.idx.msk [tilespmem:v1+s4+$0x0], $0xffff  }
0x98: {  	v9 =	vld [tilespmem:s23+$0x18770]  }
0x99: {  	v10 =	vld [tilespmem:s23+$0x18780]  }
0x9a: {  	v11 =	vld [tilespmem:s23+$0x18790]  }
0x9b: {  	v12 =	vld [tilespmem:s23+$0x187A0]  }
0x9c: {  	v13 =	vld [tilespmem:s23+$0x187B0]  }
0x9d: {  	[tilespmem:s23+$0x1A8F0] =	vst.add.f32.msk $0xffff, v1  }
0x9e: {  	v1 =	vld [tilespmem:s23+$0x187C0]  }
0x9f: {  	v14 =	vld [tilespmem:s23+$0x187D0]  }
0xa0: {  	v15 =	vld [tilespmem:s23+$0x187E0]  }
0xa1: {  	v16 =	vld [tilespmem:s23+$0x187F0]  }
0xa2: {  	v17 =	vld [tilespmem:s23+$0x18800]  }
0xa3: {  	v18 =	vld [tilespmem:s23+$0x18810]  }
0xa4: {  	v19 =	vld [tilespmem:s23+$0x18820]  }
0xa5: {  	v20 =	vld [tilespmem:s23+$0x18830]  }
0xa6: {  	v21 =	vld [tilespmem:s23+$0x18840]  }
0xa7: {  	v22 =	vld [tilespmem:s23+$0x18850]  }
0xa8: {  	v23 =	vld [tilespmem:s23+$0x18860]  }
0xa9: {  	v24 =	vld [tilespmem:s23+$0x18870]  }
0xaa: {  	v25 =	vld [tilespmem:s23+$0x18880]  }
0xab: {  	v26 =	vld [tilespmem:s23+$0x18890]  }
0xac: {  	v27 =	vld [tilespmem:s23+$0x188A0]  }
0xad: {  	v28 =	vld [tilespmem:s23+$0x188B0]  }
0xae: {  	v29 =	vld [tilespmem:s23+$0x188C0]  }
0xaf: {  	v30 =	vld [tilespmem:s23+$0x188D0]  }
0xb0: {  	v31 =	vld [tilespmem:s23+$0x188E0]  }
0xb1: {  	v2 =	vld.idx.msk [tilespmem:v2+s4+$0x0], $0xffff  }
0xb2: {  	v3 =	vld.idx.msk [tilespmem:v3+s4+$0x0], $0xffff  }
0xb3: {  	v4 =	vld.idx.msk [tilespmem:v4+s4+$0x0], $0xffff  }
0xb4: {  	v5 =	vld.idx.msk [tilespmem:v5+s4+$0x0], $0xffff  }
0xb5: {  	v6 =	vld.idx.msk [tilespmem:v6+s4+$0x0], $0xffff  }
0xb6: {  	v7 =	vld.idx.msk [tilespmem:v7+s4+$0x0], $0xffff  }
0xb7: {  	v8 =	vld.idx.msk [tilespmem:v8+s4+$0x0], $0xffff  }
0xb8: {  	v9 =	vld.idx.msk [tilespmem:v9+s4+$0x0], $0xffff  }
0xb9: {  	v10 =	vld.idx.msk [tilespmem:v10+s4+$0x0], $0xffff  }
0xba: {  	v11 =	vld.idx.msk [tilespmem:v11+s4+$0x0], $0xffff  }
0xbb: {  	v12 =	vld.idx.msk [tilespmem:v12+s4+$0x0], $0xffff  }
0xbc: {  	v13 =	vld.idx.msk [tilespmem:v13+s4+$0x0], $0xffff  }
0xbd: {  	v32 =	vld.idx.msk [tilespmem:v1+s4+$0x0], $0xffff  }
0xbe: {  	v14 =	vld.idx.msk [tilespmem:v14+s4+$0x0], $0xffff  }
0xbf: {  	v15 =	vld.idx.msk [tilespmem:v15+s4+$0x0], $0xffff  }
0xc0: {  	v16 =	vld.idx.msk [tilespmem:v16+s4+$0x0], $0xffff  }
0xc1: {  	v17 =	vld.idx.msk [tilespmem:v17+s4+$0x0], $0xffff  }
0xc2: {  	v18 =	vld.idx.msk [tilespmem:v18+s4+$0x0], $0xffff  }
0xc3: {  	v19 =	vld.idx.msk [tilespmem:v19+s4+$0x0], $0xffff  }
0xc4: {  	v20 =	vld.idx.msk [tilespmem:v20+s4+$0x0], $0xffff  }
0xc5: {  	v21 =	vld.idx.msk [tilespmem:v21+s4+$0x0], $0xffff  }
0xc6: {  	v22 =	vld.idx.msk [tilespmem:v22+s4+$0x0], $0xffff  }
0xc7: {  	v23 =	vld.idx.msk [tilespmem:v23+s4+$0x0], $0xffff  }
0xc8: {  	v24 =	vld.idx.msk [tilespmem:v24+s4+$0x0], $0xffff  }
0xc9: {  	v25 =	vld.idx.msk [tilespmem:v25+s4+$0x0], $0xffff  }
0xca: {  	v26 =	vld.idx.msk [tilespmem:v26+s4+$0x0], $0xffff  }
0xcb: {  	v27 =	vld.idx.msk [tilespmem:v27+s4+$0x0], $0xffff  }
0xcc: {  	v28 =	vld.idx.msk [tilespmem:v28+s4+$0x0], $0xffff  }
0xcd: {  	v29 =	vld.idx.msk [tilespmem:v29+s4+$0x0], $0xffff  }
0xce: {  	v30 =	vld.idx.msk [tilespmem:v30+s4+$0x0], $0xffff  }
0xcf: {  	v1 =	vld.idx.msk [tilespmem:v31+s4+$0x0], $0xffff  }
0xd0: {  	[tilespmem:s23+$0x1A700] =	vst.add.f32.msk $0xffff, v2  }
0xd1: {  	[tilespmem:s23+$0x1A710] =	vst.add.f32.msk $0xffff, v3  }
0xd2: {  	[tilespmem:s23+$0x1A720] =	vst.add.f32.msk $0xffff, v4  }
0xd3: {  	[tilespmem:s23+$0x1A730] =	vst.add.f32.msk $0xffff, v5  }
0xd4: {  	[tilespmem:s23+$0x1A740] =	vst.add.f32.msk $0xffff, v6  }
0xd5: {  	[tilespmem:s23+$0x1A750] =	vst.add.f32.msk $0xffff, v7  }
0xd6: {  	[tilespmem:s23+$0x1A760] =	vst.add.f32.msk $0xffff, v8  }
0xd7: {  	[tilespmem:s23+$0x1A770] =	vst.add.f32.msk $0xffff, v9  }
0xd8: {  	[tilespmem:s23+$0x1A780] =	vst.add.f32.msk $0xffff, v10  }
0xd9: {  	[tilespmem:s23+$0x1A790] =	vst.add.f32.msk $0xffff, v11  }
0xda: {  	[tilespmem:s23+$0x1A7A0] =	vst.add.f32.msk $0xffff, v12  }
0xdb: {  	[tilespmem:s23+$0x1A7B0] =	vst.add.f32.msk $0xffff, v13  }
0xdc: {  	[tilespmem:s23+$0x1A7C0] =	vst.add.f32.msk $0xffff, v32  }
0xdd: {  	[tilespmem:s23+$0x1A7D0] =	vst.add.f32.msk $0xffff, v14  }
0xde: {  	[tilespmem:s23+$0x1A7E0] =	vst.add.f32.msk $0xffff, v15  }
0xdf: {  	[tilespmem:s23+$0x1A7F0] =	vst.add.f32.msk $0xffff, v16  }
0xe0: {  	[tilespmem:s23+$0x1A800] =	vst.add.f32.msk $0xffff, v17  }
0xe1: {  	[tilespmem:s23+$0x1A810] =	vst.add.f32.msk $0xffff, v18  }
0xe2: {  	[tilespmem:s23+$0x1A820] =	vst.add.f32.msk $0xffff, v19  }
0xe3: {  	[tilespmem:s23+$0x1A830] =	vst.add.f32.msk $0xffff, v20  }
0xe4: {  	[tilespmem:s23+$0x1A840] =	vst.add.f32.msk $0xffff, v21  }
0xe5: {  	[tilespmem:s23+$0x1A850] =	vst.add.f32.msk $0xffff, v22  }
0xe6: {  	[tilespmem:s23+$0x1A860] =	vst.add.f32.msk $0xffff, v23  }
0xe7: {  	[tilespmem:s23+$0x1A870] =	vst.add.f32.msk $0xffff, v24  }
0xe8: {  	[tilespmem:s23+$0x1A880] =	vst.add.f32.msk $0xffff, v25  }
.Ltmp1:
0xe9: {  	[tilespmem:s23+$0x1A890] =	vst.add.f32.msk $0xffff, v26;
	(pc) =	sbr.rel @p0 .LBB2_5-.Ltmp1, $4  }
0xea: {  	[tilespmem:s23+$0x1A8A0] =	vst.add.f32.msk $0xffff, v27  }
0xeb: {  	[tilespmem:s23+$0x1A8B0] =	vst.add.f32.msk $0xffff, v28  }
0xec: {  	[tilespmem:s23+$0x1A8C0] =	vst.add.f32.msk $0xffff, v29  }
0xed: {  	s25 =	sadd.s32 $0x800, s25;
	[tilespmem:s23+$0x1A8D0] =	vst.add.f32.msk $0xffff, v30  }
0xee: {  	[tilespmem:s23+$0x1A8E0] =	vst.add.f32.msk $0xffff, v1;
	s31 =	sadd.s32 s22, s7  }
0xef: {  	[tilespmem:s13], [sflag:$0x1] =	stream.strided.gather [hbm4b:s31+s11], $0x1000, s12, s11, $0x38;
	[tilespmem:$0x1E700] =	vst v63  }
0xf0: {  	_ =	swait.ge [sflag:s17], $0x1000  }
0xf1: {  	[sflag:s17] =	ssyncset.done $0x0  }
0xf2: {  	s23 =	simm.s32 $0x0;
	[sflag:s17] =	ssyncadd.s32 $0xFFFFF000  }
0xf3: {  	v1 =	vld [tilespmem:s23+$0x198F0]  }
0xf4: {  	v2 =	vld [tilespmem:s23+$0x19700]  }
0xf5: {  	v3 =	vld [tilespmem:s23+$0x19710]  }
0xf6: {  	v4 =	vld [tilespmem:s23+$0x19720]  }
0xf7: {  	v5 =	vld [tilespmem:s23+$0x19730]  }
0xf8: {  	v6 =	vld [tilespmem:s23+$0x19740]  }
0xf9: {  	v7 =	vld [tilespmem:s23+$0x19750]  }
0xfa: {  	v8 =	vld [tilespmem:s23+$0x19760]  }
0xfb: {  	v9 =	vld [tilespmem:s23+$0x19770]  }
0xfc: {  	v10 =	vld [tilespmem:s23+$0x19780]  }
0xfd: {  	v11 =	vld [tilespmem:s23+$0x19790]  }
0xfe: {  	v12 =	vld [tilespmem:s23+$0x197A0]  }
0xff: {  	v13 =	vld [tilespmem:s23+$0x197B0]  }
0x100: {  	v14 =	vld [tilespmem:s23+$0x197D0]  }
0x101: {  	v15 =	vld [tilespmem:s23+$0x197E0]  }
0x102: {  	v16 =	vld [tilespmem:s23+$0x197F0]  }
0x103: {  	v17 =	vld [tilespmem:s23+$0x19800]  }
0x104: {  	v18 =	vld [tilespmem:s23+$0x19810]  }
0x105: {  	v19 =	vld [tilespmem:s23+$0x19820]  }
0x106: {  	v20 =	vld [tilespmem:s23+$0x19830]  }
0x107: {  	v21 =	vld [tilespmem:s23+$0x19840]  }
0x108: {  	v22 =	vld [tilespmem:s23+$0x19850]  }
0x109: {  	v23 =	vld [tilespmem:s23+$0x19860]  }
0x10a: {  	v24 =	vld [tilespmem:s23+$0x19870]  }
0x10b: {  	v25 =	vld [tilespmem:s23+$0x19880]  }
0x10c: {  	v26 =	vld [tilespmem:s23+$0x19890]  }
0x10d: {  	v27 =	vld [tilespmem:s23+$0x198A0]  }
0x10e: {  	v28 =	vld [tilespmem:s23+$0x198B0]  }
0x10f: {  	v29 =	vld [tilespmem:s23+$0x198C0]  }
0x110: {  	v30 =	vld [tilespmem:s23+$0x198D0]  }
0x111: {  	v31 =	vld [tilespmem:s23+$0x198E0]  }
0x112: {  	v1 =	vld.idx.msk [tilespmem:v1+s4+$0x0], $0xffff  }
0x113: {  	v2 =	vld.idx.msk [tilespmem:v2+s4+$0x0], $0xffff  }
0x114: {  	v3 =	vld.idx.msk [tilespmem:v3+s4+$0x0], $0xffff  }
0x115: {  	v4 =	vld.idx.msk [tilespmem:v4+s4+$0x0], $0xffff  }
0x116: {  	v5 =	vld.idx.msk [tilespmem:v5+s4+$0x0], $0xffff  }
0x117: {  	v6 =	vld.idx.msk [tilespmem:v6+s4+$0x0], $0xffff  }
0x118: {  	v7 =	vld.idx.msk [tilespmem:v7+s4+$0x0], $0xffff  }
0x119: {  	v8 =	vld.idx.msk [tilespmem:v8+s4+$0x0], $0xffff  }
0x11a: {  	v9 =	vld.idx.msk [tilespmem:v9+s4+$0x0], $0xffff  }
0x11b: {  	v10 =	vld.idx.msk [tilespmem:v10+s4+$0x0], $0xffff  }
0x11c: {  	v11 =	vld.idx.msk [tilespmem:v11+s4+$0x0], $0xffff  }
0x11d: {  	v12 =	vld.idx.msk [tilespmem:v12+s4+$0x0], $0xffff  }
0x11e: {  	v13 =	vld.idx.msk [tilespmem:v13+s4+$0x0], $0xffff  }
0x11f: {  	v14 =	vld.idx.msk [tilespmem:v14+s4+$0x0], $0xffff  }
0x120: {  	v15 =	vld.idx.msk [tilespmem:v15+s4+$0x0], $0xffff  }
0x121: {  	v16 =	vld.idx.msk [tilespmem:v16+s4+$0x0], $0xffff  }
0x122: {  	v17 =	vld.idx.msk [tilespmem:v17+s4+$0x0], $0xffff  }
0x123: {  	v18 =	vld.idx.msk [tilespmem:v18+s4+$0x0], $0xffff  }
0x124: {  	v19 =	vld.idx.msk [tilespmem:v19+s4+$0x0], $0xffff  }
0x125: {  	v20 =	vld.idx.msk [tilespmem:v20+s4+$0x0], $0xffff  }
0x126: {  	v21 =	vld.idx.msk [tilespmem:v21+s4+$0x0], $0xffff  }
0x127: {  	v22 =	vld.idx.msk [tilespmem:v22+s4+$0x0], $0xffff  }
0x128: {  	v23 =	vld.idx.msk [tilespmem:v23+s4+$0x0], $0xffff  }
0x129: {  	v24 =	vld.idx.msk [tilespmem:v24+s4+$0x0], $0xffff  }
0x12a: {  	v25 =	vld.idx.msk [tilespmem:v25+s4+$0x0], $0xffff  }
0x12b: {  	v26 =	vld.idx.msk [tilespmem:v26+s4+$0x0], $0xffff  }
0x12c: {  	v27 =	vld.idx.msk [tilespmem:v27+s4+$0x0], $0xffff  }
0x12d: {  	v28 =	vld.idx.msk [tilespmem:v28+s4+$0x0], $0xffff  }
0x12e: {  	v29 =	vld.idx.msk [tilespmem:v29+s4+$0x0], $0xffff  }
0x12f: {  	v30 =	vld.idx.msk [tilespmem:v30+s4+$0x0], $0xffff  }
0x130: {  	[tilespmem:s23+$0x1B8F0] =	vst.add.f32.msk $0xffff, v1  }
0x131: {  	v1 =	vld [tilespmem:s23+$0x197C0]  }
0x132: {  	[tilespmem:s23+$0x1B700] =	vst.add.f32.msk $0xffff, v2  }
0x133: {  	[tilespmem:s23+$0x1B710] =	vst.add.f32.msk $0xffff, v3  }
0x134: {  	[tilespmem:s23+$0x1B720] =	vst.add.f32.msk $0xffff, v4  }
0x135: {  	[tilespmem:s23+$0x1B730] =	vst.add.f32.msk $0xffff, v5  }
0x136: {  	[tilespmem:s23+$0x1B740] =	vst.add.f32.msk $0xffff, v6  }
0x137: {  	[tilespmem:s23+$0x1B750] =	vst.add.f32.msk $0xffff, v7  }
0x138: {  	[tilespmem:s23+$0x1B760] =	vst.add.f32.msk $0xffff, v8  }
0x139: {  	[tilespmem:s23+$0x1B770] =	vst.add.f32.msk $0xffff, v9  }
0x13a: {  	[tilespmem:s23+$0x1B780] =	vst.add.f32.msk $0xffff, v10  }
0x13b: {  	[tilespmem:s23+$0x1B790] =	vst.add.f32.msk $0xffff, v11  }
0x13c: {  	[tilespmem:s23+$0x1B7A0] =	vst.add.f32.msk $0xffff, v12  }
0x13d: {  	[tilespmem:s23+$0x1B7B0] =	vst.add.f32.msk $0xffff, v13  }
0x13e: {  	[tilespmem:s23+$0x1B7D0] =	vst.add.f32.msk $0xffff, v14  }
0x13f: {  	[tilespmem:s23+$0x1B7E0] =	vst.add.f32.msk $0xffff, v15  }
0x140: {  	[tilespmem:s23+$0x1B7F0] =	vst.add.f32.msk $0xffff, v16  }
0x141: {  	[tilespmem:s23+$0x1B800] =	vst.add.f32.msk $0xffff, v17  }
0x142: {  	[tilespmem:s23+$0x1B810] =	vst.add.f32.msk $0xffff, v18  }
0x143: {  	[tilespmem:s23+$0x1B820] =	vst.add.f32.msk $0xffff, v19  }
0x144: {  	[tilespmem:s23+$0x1B830] =	vst.add.f32.msk $0xffff, v20  }
0x145: {  	[tilespmem:s23+$0x1B840] =	vst.add.f32.msk $0xffff, v21  }
0x146: {  	[tilespmem:s23+$0x1B850] =	vst.add.f32.msk $0xffff, v22  }
0x147: {  	[tilespmem:s23+$0x1B860] =	vst.add.f32.msk $0xffff, v23  }
0x148: {  	[tilespmem:s23+$0x1B870] =	vst.add.f32.msk $0xffff, v24  }
0x149: {  	[tilespmem:s23+$0x1B880] =	vst.add.f32.msk $0xffff, v25  }
0x14a: {  	[tilespmem:s23+$0x1B890] =	vst.add.f32.msk $0xffff, v26  }
0x14b: {  	[tilespmem:s23+$0x1B8A0] =	vst.add.f32.msk $0xffff, v27  }
0x14c: {  	v32 =	vld.idx.msk [tilespmem:v1+s4+$0x0], $0xffff  }
0x14d: {  	v1 =	vld.idx.msk [tilespmem:v31+s4+$0x0], $0xffff  }
0x14e: {  	[tilespmem:s23+$0x1B8B0] =	vst.add.f32.msk $0xffff, v28  }
0x14f: {  	[tilespmem:s23+$0x1B8C0] =	vst.add.f32.msk $0xffff, v29  }
0x150: {  	[tilespmem:s23+$0x1B8D0] =	vst.add.f32.msk $0xffff, v30  }
0x151: {  	s24 =	simm.s32 $0x0;
	s25 =	simm.s32 $0x800;
	[tilespmem:s23+$0x1B7C0] =	vst.add.f32.msk $0xffff, v32  }
.LBB2_7:
0x152: {  	s24 =	sadd.s32 $0x20, s24;
	[tilespmem:s23+$0x1B8E0] =	vst.add.f32.msk $0xffff, v1;
	s23 =	sshra.s32 s25, $0x2  }
0x153: {  	v1 =	vld [tilespmem:s23+$0x198F0];
	p0 =	slt.u32 s24, $0xE0  }
0x154: {  	v2 =	vld [tilespmem:s23+$0x19700]  }
0x155: {  	v3 =	vld [tilespmem:s23+$0x19710]  }
0x156: {  	v4 =	vld [tilespmem:s23+$0x19720]  }
0x157: {  	v5 =	vld [tilespmem:s23+$0x19730]  }
0x158: {  	v6 =	vld [tilespmem:s23+$0x19740]  }
0x159: {  	v7 =	vld [tilespmem:s23+$0x19750]  }
0x15a: {  	v8 =	vld [tilespmem:s23+$0x19760]  }
0x15b: {  	v1 =	vld.idx.msk [tilespmem:v1+s4+$0x0], $0xffff  }
0x15c: {  	v9 =	vld [tilespmem:s23+$0x19770]  }
0x15d: {  	v10 =	vld [tilespmem:s23+$0x19780]  }
0x15e: {  	v11 =	vld [tilespmem:s23+$0x19790]  }
0x15f: {  	v12 =	vld [tilespmem:s23+$0x197A0]  }
0x160: {  	v13 =	vld [tilespmem:s23+$0x197B0]  }
0x161: {  	[tilespmem:s23+$0x1B8F0] =	vst.add.f32.msk $0xffff, v1  }
0x162: {  	v1 =	vld [tilespmem:s23+$0x197C0]  }
0x163: {  	v14 =	vld [tilespmem:s23+$0x197D0]  }
0x164: {  	v15 =	vld [tilespmem:s23+$0x197E0]  }
0x165: {  	v16 =	vld [tilespmem:s23+$0x197F0]  }
0x166: {  	v17 =	vld [tilespmem:s23+$0x19800]  }
0x167: {  	v18 =	vld [tilespmem:s23+$0x19810]  }
0x168: {  	v19 =	vld [tilespmem:s23+$0x19820]  }
0x169: {  	v20 =	vld [tilespmem:s23+$0x19830]  }
0x16a: {  	v21 =	vld [tilespmem:s23+$0x19840]  }
0x16b: {  	v22 =	vld [tilespmem:s23+$0x19850]  }
0x16c: {  	v23 =	vld [tilespmem:s23+$0x19860]  }
0x16d: {  	v24 =	vld [tilespmem:s23+$0x19870]  }
0x16e: {  	v25 =	vld [tilespmem:s23+$0x19880]  }
0x16f: {  	v26 =	vld [tilespmem:s23+$0x19890]  }
0x170: {  	v27 =	vld [tilespmem:s23+$0x198A0]  }
0x171: {  	v28 =	vld [tilespmem:s23+$0x198B0]  }
0x172: {  	v29 =	vld [tilespmem:s23+$0x198C0]  }
0x173: {  	v30 =	vld [tilespmem:s23+$0x198D0]  }
0x174: {  	v31 =	vld [tilespmem:s23+$0x198E0]  }
0x175: {  	v2 =	vld.idx.msk [tilespmem:v2+s4+$0x0], $0xffff  }
0x176: {  	v3 =	vld.idx.msk [tilespmem:v3+s4+$0x0], $0xffff  }
0x177: {  	v4 =	vld.idx.msk [tilespmem:v4+s4+$0x0], $0xffff  }
0x178: {  	v5 =	vld.idx.msk [tilespmem:v5+s4+$0x0], $0xffff  }
0x179: {  	v6 =	vld.idx.msk [tilespmem:v6+s4+$0x0], $0xffff  }
0x17a: {  	v7 =	vld.idx.msk [tilespmem:v7+s4+$0x0], $0xffff  }
0x17b: {  	v8 =	vld.idx.msk [tilespmem:v8+s4+$0x0], $0xffff  }
0x17c: {  	v9 =	vld.idx.msk [tilespmem:v9+s4+$0x0], $0xffff  }
0x17d: {  	v10 =	vld.idx.msk [tilespmem:v10+s4+$0x0], $0xffff  }
0x17e: {  	v11 =	vld.idx.msk [tilespmem:v11+s4+$0x0], $0xffff  }
0x17f: {  	v12 =	vld.idx.msk [tilespmem:v12+s4+$0x0], $0xffff  }
0x180: {  	v13 =	vld.idx.msk [tilespmem:v13+s4+$0x0], $0xffff  }
0x181: {  	v32 =	vld.idx.msk [tilespmem:v1+s4+$0x0], $0xffff  }
0x182: {  	v14 =	vld.idx.msk [tilespmem:v14+s4+$0x0], $0xffff  }
0x183: {  	v15 =	vld.idx.msk [tilespmem:v15+s4+$0x0], $0xffff  }
0x184: {  	v16 =	vld.idx.msk [tilespmem:v16+s4+$0x0], $0xffff  }
0x185: {  	v17 =	vld.idx.msk [tilespmem:v17+s4+$0x0], $0xffff  }
0x186: {  	v18 =	vld.idx.msk [tilespmem:v18+s4+$0x0], $0xffff  }
0x187: {  	v19 =	vld.idx.msk [tilespmem:v19+s4+$0x0], $0xffff  }
0x188: {  	v20 =	vld.idx.msk [tilespmem:v20+s4+$0x0], $0xffff  }
0x189: {  	v21 =	vld.idx.msk [tilespmem:v21+s4+$0x0], $0xffff  }
0x18a: {  	v22 =	vld.idx.msk [tilespmem:v22+s4+$0x0], $0xffff  }
0x18b: {  	v23 =	vld.idx.msk [tilespmem:v23+s4+$0x0], $0xffff  }
0x18c: {  	v24 =	vld.idx.msk [tilespmem:v24+s4+$0x0], $0xffff  }
0x18d: {  	v25 =	vld.idx.msk [tilespmem:v25+s4+$0x0], $0xffff  }
0x18e: {  	v26 =	vld.idx.msk [tilespmem:v26+s4+$0x0], $0xffff  }
0x18f: {  	v27 =	vld.idx.msk [tilespmem:v27+s4+$0x0], $0xffff  }
0x190: {  	v28 =	vld.idx.msk [tilespmem:v28+s4+$0x0], $0xffff  }
0x191: {  	v29 =	vld.idx.msk [tilespmem:v29+s4+$0x0], $0xffff  }
0x192: {  	v30 =	vld.idx.msk [tilespmem:v30+s4+$0x0], $0xffff  }
0x193: {  	v1 =	vld.idx.msk [tilespmem:v31+s4+$0x0], $0xffff  }
0x194: {  	[tilespmem:s23+$0x1B700] =	vst.add.f32.msk $0xffff, v2  }
0x195: {  	[tilespmem:s23+$0x1B710] =	vst.add.f32.msk $0xffff, v3  }
0x196: {  	[tilespmem:s23+$0x1B720] =	vst.add.f32.msk $0xffff, v4  }
0x197: {  	[tilespmem:s23+$0x1B730] =	vst.add.f32.msk $0xffff, v5  }
0x198: {  	[tilespmem:s23+$0x1B740] =	vst.add.f32.msk $0xffff, v6  }
0x199: {  	[tilespmem:s23+$0x1B750] =	vst.add.f32.msk $0xffff, v7  }
0x19a: {  	[tilespmem:s23+$0x1B760] =	vst.add.f32.msk $0xffff, v8  }
0x19b: {  	[tilespmem:s23+$0x1B770] =	vst.add.f32.msk $0xffff, v9  }
0x19c: {  	[tilespmem:s23+$0x1B780] =	vst.add.f32.msk $0xffff, v10  }
0x19d: {  	[tilespmem:s23+$0x1B790] =	vst.add.f32.msk $0xffff, v11  }
0x19e: {  	[tilespmem:s23+$0x1B7A0] =	vst.add.f32.msk $0xffff, v12  }
0x19f: {  	[tilespmem:s23+$0x1B7B0] =	vst.add.f32.msk $0xffff, v13  }
0x1a0: {  	[tilespmem:s23+$0x1B7C0] =	vst.add.f32.msk $0xffff, v32  }
0x1a1: {  	[tilespmem:s23+$0x1B7D0] =	vst.add.f32.msk $0xffff, v14  }
0x1a2: {  	[tilespmem:s23+$0x1B7E0] =	vst.add.f32.msk $0xffff, v15  }
0x1a3: {  	[tilespmem:s23+$0x1B7F0] =	vst.add.f32.msk $0xffff, v16  }
0x1a4: {  	[tilespmem:s23+$0x1B800] =	vst.add.f32.msk $0xffff, v17  }
0x1a5: {  	[tilespmem:s23+$0x1B810] =	vst.add.f32.msk $0xffff, v18  }
0x1a6: {  	[tilespmem:s23+$0x1B820] =	vst.add.f32.msk $0xffff, v19  }
0x1a7: {  	[tilespmem:s23+$0x1B830] =	vst.add.f32.msk $0xffff, v20  }
0x1a8: {  	[tilespmem:s23+$0x1B840] =	vst.add.f32.msk $0xffff, v21  }
0x1a9: {  	[tilespmem:s23+$0x1B850] =	vst.add.f32.msk $0xffff, v22  }
0x1aa: {  	[tilespmem:s23+$0x1B860] =	vst.add.f32.msk $0xffff, v23  }
0x1ab: {  	[tilespmem:s23+$0x1B870] =	vst.add.f32.msk $0xffff, v24  }
0x1ac: {  	[tilespmem:s23+$0x1B880] =	vst.add.f32.msk $0xffff, v25  }
.Ltmp2:
0x1ad: {  	[tilespmem:s23+$0x1B890] =	vst.add.f32.msk $0xffff, v26;
	(pc) =	sbr.rel @p0 .LBB2_7-.Ltmp2, $4  }
0x1ae: {  	[tilespmem:s23+$0x1B8A0] =	vst.add.f32.msk $0xffff, v27  }
0x1af: {  	[tilespmem:s23+$0x1B8B0] =	vst.add.f32.msk $0xffff, v28  }
0x1b0: {  	[tilespmem:s23+$0x1B8C0] =	vst.add.f32.msk $0xffff, v29  }
0x1b1: {  	s25 =	sadd.s32 $0x800, s25;
	[tilespmem:s23+$0x1B8D0] =	vst.add.f32.msk $0xffff, v30  }
0x1b2: {  	[tilespmem:s23+$0x1B8E0] =	vst.add.f32.msk $0xffff, v1;
	s22 =	sadd.s32 s22, s8  }
0x1b3: {  	[tilespmem:s15], [sflag:$0x2] =	stream.strided.gather [hbm4b:s22+s11], $0x1000, s12, s11, $0x38;
	[tilespmem:$0x1E700] =	vst v63  }
0x1b4: {  	_ =	swait.ge [sflag:s16], $0x1000  }
0x1b5: {  	[sflag:s16] =	ssyncset.done $0x0  }
0x1b6: {  	s22 =	simm.s32 $0x0;
	[sflag:s16] =	ssyncadd.s32 $0xFFFFF000  }
0x1b7: {  	v1 =	vld [tilespmem:s22+$0x188F0]  }
0x1b8: {  	v2 =	vld [tilespmem:s22+$0x18700]  }
0x1b9: {  	v3 =	vld [tilespmem:s22+$0x18710]  }
0x1ba: {  	v4 =	vld [tilespmem:s22+$0x18720]  }
0x1bb: {  	v5 =	vld [tilespmem:s22+$0x18730]  }
0x1bc: {  	v6 =	vld [tilespmem:s22+$0x18740]  }
0x1bd: {  	v7 =	vld [tilespmem:s22+$0x18750]  }
0x1be: {  	v8 =	vld [tilespmem:s22+$0x18760]  }
0x1bf: {  	v9 =	vld [tilespmem:s22+$0x18770]  }
0x1c0: {  	v10 =	vld [tilespmem:s22+$0x18780]  }
0x1c1: {  	v11 =	vld [tilespmem:s22+$0x18790]  }
0x1c2: {  	v12 =	vld [tilespmem:s22+$0x187A0]  }
0x1c3: {  	v13 =	vld [tilespmem:s22+$0x187B0]  }
0x1c4: {  	v14 =	vld [tilespmem:s22+$0x187D0]  }
0x1c5: {  	v15 =	vld [tilespmem:s22+$0x187E0]  }
0x1c6: {  	v16 =	vld [tilespmem:s22+$0x187F0]  }
0x1c7: {  	v17 =	vld [tilespmem:s22+$0x18800]  }
0x1c8: {  	v18 =	vld [tilespmem:s22+$0x18810]  }
0x1c9: {  	v19 =	vld [tilespmem:s22+$0x18820]  }
0x1ca: {  	v20 =	vld [tilespmem:s22+$0x18830]  }
0x1cb: {  	v21 =	vld [tilespmem:s22+$0x18840]  }
0x1cc: {  	v22 =	vld [tilespmem:s22+$0x18850]  }
0x1cd: {  	v23 =	vld [tilespmem:s22+$0x18860]  }
0x1ce: {  	v24 =	vld [tilespmem:s22+$0x18870]  }
0x1cf: {  	v25 =	vld [tilespmem:s22+$0x18880]  }
0x1d0: {  	v26 =	vld [tilespmem:s22+$0x18890]  }
0x1d1: {  	v27 =	vld [tilespmem:s22+$0x188A0]  }
0x1d2: {  	v28 =	vld [tilespmem:s22+$0x188B0]  }
0x1d3: {  	v29 =	vld [tilespmem:s22+$0x188C0]  }
0x1d4: {  	v30 =	vld [tilespmem:s22+$0x188D0]  }
0x1d5: {  	v31 =	vld [tilespmem:s22+$0x188E0]  }
0x1d6: {  	v1 =	vld.idx.msk [tilespmem:v1+s4+$0x0], $0xffff  }
0x1d7: {  	v2 =	vld.idx.msk [tilespmem:v2+s4+$0x0], $0xffff  }
0x1d8: {  	v3 =	vld.idx.msk [tilespmem:v3+s4+$0x0], $0xffff  }
0x1d9: {  	v4 =	vld.idx.msk [tilespmem:v4+s4+$0x0], $0xffff  }
0x1da: {  	v5 =	vld.idx.msk [tilespmem:v5+s4+$0x0], $0xffff  }
0x1db: {  	v6 =	vld.idx.msk [tilespmem:v6+s4+$0x0], $0xffff  }
0x1dc: {  	v7 =	vld.idx.msk [tilespmem:v7+s4+$0x0], $0xffff  }
0x1dd: {  	v8 =	vld.idx.msk [tilespmem:v8+s4+$0x0], $0xffff  }
0x1de: {  	v9 =	vld.idx.msk [tilespmem:v9+s4+$0x0], $0xffff  }
0x1df: {  	v10 =	vld.idx.msk [tilespmem:v10+s4+$0x0], $0xffff  }
0x1e0: {  	v11 =	vld.idx.msk [tilespmem:v11+s4+$0x0], $0xffff  }
0x1e1: {  	v12 =	vld.idx.msk [tilespmem:v12+s4+$0x0], $0xffff  }
0x1e2: {  	v13 =	vld.idx.msk [tilespmem:v13+s4+$0x0], $0xffff  }
0x1e3: {  	v14 =	vld.idx.msk [tilespmem:v14+s4+$0x0], $0xffff  }
0x1e4: {  	v15 =	vld.idx.msk [tilespmem:v15+s4+$0x0], $0xffff  }
0x1e5: {  	v16 =	vld.idx.msk [tilespmem:v16+s4+$0x0], $0xffff  }
0x1e6: {  	v17 =	vld.idx.msk [tilespmem:v17+s4+$0x0], $0xffff  }
0x1e7: {  	v18 =	vld.idx.msk [tilespmem:v18+s4+$0x0], $0xffff  }
0x1e8: {  	v19 =	vld.idx.msk [tilespmem:v19+s4+$0x0], $0xffff  }
0x1e9: {  	v20 =	vld.idx.msk [tilespmem:v20+s4+$0x0], $0xffff  }
0x1ea: {  	v21 =	vld.idx.msk [tilespmem:v21+s4+$0x0], $0xffff  }
0x1eb: {  	v22 =	vld.idx.msk [tilespmem:v22+s4+$0x0], $0xffff  }
0x1ec: {  	v23 =	vld.idx.msk [tilespmem:v23+s4+$0x0], $0xffff  }
0x1ed: {  	v24 =	vld.idx.msk [tilespmem:v24+s4+$0x0], $0xffff  }
0x1ee: {  	v25 =	vld.idx.msk [tilespmem:v25+s4+$0x0], $0xffff  }
0x1ef: {  	v26 =	vld.idx.msk [tilespmem:v26+s4+$0x0], $0xffff  }
0x1f0: {  	v27 =	vld.idx.msk [tilespmem:v27+s4+$0x0], $0xffff  }
0x1f1: {  	v28 =	vld.idx.msk [tilespmem:v28+s4+$0x0], $0xffff  }
0x1f2: {  	v29 =	vld.idx.msk [tilespmem:v29+s4+$0x0], $0xffff  }
0x1f3: {  	v30 =	vld.idx.msk [tilespmem:v30+s4+$0x0], $0xffff  }
0x1f4: {  	[tilespmem:s22+$0x1C8F0] =	vst.add.f32.msk $0xffff, v1  }
0x1f5: {  	v1 =	vld [tilespmem:s22+$0x187C0]  }
0x1f6: {  	[tilespmem:s22+$0x1C700] =	vst.add.f32.msk $0xffff, v2  }
0x1f7: {  	[tilespmem:s22+$0x1C710] =	vst.add.f32.msk $0xffff, v3  }
0x1f8: {  	[tilespmem:s22+$0x1C720] =	vst.add.f32.msk $0xffff, v4  }
0x1f9: {  	[tilespmem:s22+$0x1C730] =	vst.add.f32.msk $0xffff, v5  }
0x1fa: {  	[tilespmem:s22+$0x1C740] =	vst.add.f32.msk $0xffff, v6  }
0x1fb: {  	[tilespmem:s22+$0x1C750] =	vst.add.f32.msk $0xffff, v7  }
0x1fc: {  	[tilespmem:s22+$0x1C760] =	vst.add.f32.msk $0xffff, v8  }
0x1fd: {  	[tilespmem:s22+$0x1C770] =	vst.add.f32.msk $0xffff, v9  }
0x1fe: {  	[tilespmem:s22+$0x1C780] =	vst.add.f32.msk $0xffff, v10  }
0x1ff: {  	[tilespmem:s22+$0x1C790] =	vst.add.f32.msk $0xffff, v11  }
0x200: {  	[tilespmem:s22+$0x1C7A0] =	vst.add.f32.msk $0xffff, v12  }
0x201: {  	[tilespmem:s22+$0x1C7B0] =	vst.add.f32.msk $0xffff, v13  }
0x202: {  	[tilespmem:s22+$0x1C7D0] =	vst.add.f32.msk $0xffff, v14  }
0x203: {  	[tilespmem:s22+$0x1C7E0] =	vst.add.f32.msk $0xffff, v15  }
0x204: {  	[tilespmem:s22+$0x1C7F0] =	vst.add.f32.msk $0xffff, v16  }
0x205: {  	[tilespmem:s22+$0x1C800] =	vst.add.f32.msk $0xffff, v17  }
0x206: {  	[tilespmem:s22+$0x1C810] =	vst.add.f32.msk $0xffff, v18  }
0x207: {  	[tilespmem:s22+$0x1C820] =	vst.add.f32.msk $0xffff, v19  }
0x208: {  	[tilespmem:s22+$0x1C830] =	vst.add.f32.msk $0xffff, v20  }
0x209: {  	[tilespmem:s22+$0x1C840] =	vst.add.f32.msk $0xffff, v21  }
0x20a: {  	[tilespmem:s22+$0x1C850] =	vst.add.f32.msk $0xffff, v22  }
0x20b: {  	[tilespmem:s22+$0x1C860] =	vst.add.f32.msk $0xffff, v23  }
0x20c: {  	[tilespmem:s22+$0x1C870] =	vst.add.f32.msk $0xffff, v24  }
0x20d: {  	[tilespmem:s22+$0x1C880] =	vst.add.f32.msk $0xffff, v25  }
0x20e: {  	[tilespmem:s22+$0x1C890] =	vst.add.f32.msk $0xffff, v26  }
0x20f: {  	[tilespmem:s22+$0x1C8A0] =	vst.add.f32.msk $0xffff, v27  }
0x210: {  	v32 =	vld.idx.msk [tilespmem:v1+s4+$0x0], $0xffff  }
0x211: {  	v1 =	vld.idx.msk [tilespmem:v31+s4+$0x0], $0xffff  }
0x212: {  	[tilespmem:s22+$0x1C8B0] =	vst.add.f32.msk $0xffff, v28  }
0x213: {  	[tilespmem:s22+$0x1C8C0] =	vst.add.f32.msk $0xffff, v29  }
0x214: {  	[tilespmem:s22+$0x1C8D0] =	vst.add.f32.msk $0xffff, v30  }
0x215: {  	s23 =	simm.s32 $0x0;
	s24 =	simm.s32 $0x800;
	[tilespmem:s22+$0x1C7C0] =	vst.add.f32.msk $0xffff, v32  }
.LBB2_9:
0x216: {  	s23 =	sadd.s32 $0x20, s23;
	[tilespmem:s22+$0x1C8E0] =	vst.add.f32.msk $0xffff, v1;
	s22 =	sshra.s32 s24, $0x2  }
0x217: {  	v1 =	vld [tilespmem:s22+$0x188F0];
	p0 =	slt.u32 s23, $0xE0  }
0x218: {  	v2 =	vld [tilespmem:s22+$0x18700]  }
0x219: {  	v3 =	vld [tilespmem:s22+$0x18710]  }
0x21a: {  	v4 =	vld [tilespmem:s22+$0x18720]  }
0x21b: {  	v5 =	vld [tilespmem:s22+$0x18730]  }
0x21c: {  	v6 =	vld [tilespmem:s22+$0x18740]  }
0x21d: {  	v7 =	vld [tilespmem:s22+$0x18750]  }
0x21e: {  	v8 =	vld [tilespmem:s22+$0x18760]  }
0x21f: {  	v1 =	vld.idx.msk [tilespmem:v1+s4+$0x0], $0xffff  }
0x220: {  	v9 =	vld [tilespmem:s22+$0x18770]  }
0x221: {  	v10 =	vld [tilespmem:s22+$0x18780]  }
0x222: {  	v11 =	vld [tilespmem:s22+$0x18790]  }
0x223: {  	v12 =	vld [tilespmem:s22+$0x187A0]  }
0x224: {  	v13 =	vld [tilespmem:s22+$0x187B0]  }
0x225: {  	[tilespmem:s22+$0x1C8F0] =	vst.add.f32.msk $0xffff, v1  }
0x226: {  	v1 =	vld [tilespmem:s22+$0x187C0]  }
0x227: {  	v14 =	vld [tilespmem:s22+$0x187D0]  }
0x228: {  	v15 =	vld [tilespmem:s22+$0x187E0]  }
0x229: {  	v16 =	vld [tilespmem:s22+$0x187F0]  }
0x22a: {  	v17 =	vld [tilespmem:s22+$0x18800]  }
0x22b: {  	v18 =	vld [tilespmem:s22+$0x18810]  }
0x22c: {  	v19 =	vld [tilespmem:s22+$0x18820]  }
0x22d: {  	v20 =	vld [tilespmem:s22+$0x18830]  }
0x22e: {  	v21 =	vld [tilespmem:s22+$0x18840]  }
0x22f: {  	v22 =	vld [tilespmem:s22+$0x18850]  }
0x230: {  	v23 =	vld [tilespmem:s22+$0x18860]  }
0x231: {  	v24 =	vld [tilespmem:s22+$0x18870]  }
0x232: {  	v25 =	vld [tilespmem:s22+$0x18880]  }
0x233: {  	v26 =	vld [tilespmem:s22+$0x18890]  }
0x234: {  	v27 =	vld [tilespmem:s22+$0x188A0]  }
0x235: {  	v28 =	vld [tilespmem:s22+$0x188B0]  }
0x236: {  	v29 =	vld [tilespmem:s22+$0x188C0]  }
0x237: {  	v30 =	vld [tilespmem:s22+$0x188D0]  }
0x238: {  	v31 =	vld [tilespmem:s22+$0x188E0]  }
0x239: {  	v2 =	vld.idx.msk [tilespmem:v2+s4+$0x0], $0xffff  }
0x23a: {  	v3 =	vld.idx.msk [tilespmem:v3+s4+$0x0], $0xffff  }
0x23b: {  	v4 =	vld.idx.msk [tilespmem:v4+s4+$0x0], $0xffff  }
0x23c: {  	v5 =	vld.idx.msk [tilespmem:v5+s4+$0x0], $0xffff  }
0x23d: {  	v6 =	vld.idx.msk [tilespmem:v6+s4+$0x0], $0xffff  }
0x23e: {  	v7 =	vld.idx.msk [tilespmem:v7+s4+$0x0], $0xffff  }
0x23f: {  	v8 =	vld.idx.msk [tilespmem:v8+s4+$0x0], $0xffff  }
0x240: {  	v9 =	vld.idx.msk [tilespmem:v9+s4+$0x0], $0xffff  }
0x241: {  	v10 =	vld.idx.msk [tilespmem:v10+s4+$0x0], $0xffff  }
0x242: {  	v11 =	vld.idx.msk [tilespmem:v11+s4+$0x0], $0xffff  }
0x243: {  	v12 =	vld.idx.msk [tilespmem:v12+s4+$0x0], $0xffff  }
0x244: {  	v13 =	vld.idx.msk [tilespmem:v13+s4+$0x0], $0xffff  }
0x245: {  	v32 =	vld.idx.msk [tilespmem:v1+s4+$0x0], $0xffff  }
0x246: {  	v14 =	vld.idx.msk [tilespmem:v14+s4+$0x0], $0xffff  }
0x247: {  	v15 =	vld.idx.msk [tilespmem:v15+s4+$0x0], $0xffff  }
0x248: {  	v16 =	vld.idx.msk [tilespmem:v16+s4+$0x0], $0xffff  }
0x249: {  	v17 =	vld.idx.msk [tilespmem:v17+s4+$0x0], $0xffff  }
0x24a: {  	v18 =	vld.idx.msk [tilespmem:v18+s4+$0x0], $0xffff  }
0x24b: {  	v19 =	vld.idx.msk [tilespmem:v19+s4+$0x0], $0xffff  }
0x24c: {  	v20 =	vld.idx.msk [tilespmem:v20+s4+$0x0], $0xffff  }
0x24d: {  	v21 =	vld.idx.msk [tilespmem:v21+s4+$0x0], $0xffff  }
0x24e: {  	v22 =	vld.idx.msk [tilespmem:v22+s4+$0x0], $0xffff  }
0x24f: {  	v23 =	vld.idx.msk [tilespmem:v23+s4+$0x0], $0xffff  }
0x250: {  	v24 =	vld.idx.msk [tilespmem:v24+s4+$0x0], $0xffff  }
0x251: {  	v25 =	vld.idx.msk [tilespmem:v25+s4+$0x0], $0xffff  }
0x252: {  	v26 =	vld.idx.msk [tilespmem:v26+s4+$0x0], $0xffff  }
0x253: {  	v27 =	vld.idx.msk [tilespmem:v27+s4+$0x0], $0xffff  }
0x254: {  	v28 =	vld.idx.msk [tilespmem:v28+s4+$0x0], $0xffff  }
0x255: {  	v29 =	vld.idx.msk [tilespmem:v29+s4+$0x0], $0xffff  }
0x256: {  	v30 =	vld.idx.msk [tilespmem:v30+s4+$0x0], $0xffff  }
0x257: {  	v1 =	vld.idx.msk [tilespmem:v31+s4+$0x0], $0xffff  }
0x258: {  	[tilespmem:s22+$0x1C700] =	vst.add.f32.msk $0xffff, v2  }
0x259: {  	[tilespmem:s22+$0x1C710] =	vst.add.f32.msk $0xffff, v3  }
0x25a: {  	[tilespmem:s22+$0x1C720] =	vst.add.f32.msk $0xffff, v4  }
0x25b: {  	[tilespmem:s22+$0x1C730] =	vst.add.f32.msk $0xffff, v5  }
0x25c: {  	[tilespmem:s22+$0x1C740] =	vst.add.f32.msk $0xffff, v6  }
0x25d: {  	[tilespmem:s22+$0x1C750] =	vst.add.f32.msk $0xffff, v7  }
0x25e: {  	[tilespmem:s22+$0x1C760] =	vst.add.f32.msk $0xffff, v8  }
0x25f: {  	[tilespmem:s22+$0x1C770] =	vst.add.f32.msk $0xffff, v9  }
0x260: {  	[tilespmem:s22+$0x1C780] =	vst.add.f32.msk $0xffff, v10  }
0x261: {  	[tilespmem:s22+$0x1C790] =	vst.add.f32.msk $0xffff, v11  }
0x262: {  	[tilespmem:s22+$0x1C7A0] =	vst.add.f32.msk $0xffff, v12  }
0x263: {  	[tilespmem:s22+$0x1C7B0] =	vst.add.f32.msk $0xffff, v13  }
0x264: {  	[tilespmem:s22+$0x1C7C0] =	vst.add.f32.msk $0xffff, v32  }
0x265: {  	[tilespmem:s22+$0x1C7D0] =	vst.add.f32.msk $0xffff, v14  }
0x266: {  	[tilespmem:s22+$0x1C7E0] =	vst.add.f32.msk $0xffff, v15  }
0x267: {  	[tilespmem:s22+$0x1C7F0] =	vst.add.f32.msk $0xffff, v16  }
0x268: {  	[tilespmem:s22+$0x1C800] =	vst.add.f32.msk $0xffff, v17  }
0x269: {  	[tilespmem:s22+$0x1C810] =	vst.add.f32.msk $0xffff, v18  }
0x26a: {  	[tilespmem:s22+$0x1C820] =	vst.add.f32.msk $0xffff, v19  }
0x26b: {  	[tilespmem:s22+$0x1C830] =	vst.add.f32.msk $0xffff, v20  }
0x26c: {  	[tilespmem:s22+$0x1C840] =	vst.add.f32.msk $0xffff, v21  }
0x26d: {  	[tilespmem:s22+$0x1C850] =	vst.add.f32.msk $0xffff, v22  }
0x26e: {  	[tilespmem:s22+$0x1C860] =	vst.add.f32.msk $0xffff, v23  }
0x26f: {  	[tilespmem:s22+$0x1C870] =	vst.add.f32.msk $0xffff, v24  }
0x270: {  	[tilespmem:s22+$0x1C880] =	vst.add.f32.msk $0xffff, v25  }
.Ltmp3:
0x271: {  	[tilespmem:s22+$0x1C890] =	vst.add.f32.msk $0xffff, v26;
	(pc) =	sbr.rel @p0 .LBB2_9-.Ltmp3, $4  }
0x272: {  	[tilespmem:s22+$0x1C8A0] =	vst.add.f32.msk $0xffff, v27  }
0x273: {  	[tilespmem:s22+$0x1C8B0] =	vst.add.f32.msk $0xffff, v28  }
0x274: {  	[tilespmem:s22+$0x1C8C0] =	vst.add.f32.msk $0xffff, v29  }
0x275: {  	s24 =	sadd.s32 $0x800, s24;
	[tilespmem:s22+$0x1C8D0] =	vst.add.f32.msk $0xffff, v30  }
0x276: {  	[tilespmem:s22+$0x1C8E0] =	vst.add.f32.msk $0xffff, v1  }
0x277: {  	_ =	swait.ge [sflag:s17], $0x1000  }
0x278: {  	[sflag:s17] =	ssyncset.done $0x0  }
0x279: {  	s22 =	simm.s32 $0x0;
	[sflag:s17] =	ssyncadd.s32 $0xFFFFF000  }
0x27a: {  	v1 =	vld [tilespmem:s22+$0x198F0]  }
0x27b: {  	v2 =	vld [tilespmem:s22+$0x19700]  }
0x27c: {  	v3 =	vld [tilespmem:s22+$0x19710]  }
0x27d: {  	v4 =	vld [tilespmem:s22+$0x19720]  }
0x27e: {  	v5 =	vld [tilespmem:s22+$0x19730]  }
0x27f: {  	v6 =	vld [tilespmem:s22+$0x19740]  }
0x280: {  	v7 =	vld [tilespmem:s22+$0x19750]  }
0x281: {  	v8 =	vld [tilespmem:s22+$0x19760]  }
0x282: {  	v9 =	vld [tilespmem:s22+$0x19770]  }
0x283: {  	v10 =	vld [tilespmem:s22+$0x19780]  }
0x284: {  	v11 =	vld [tilespmem:s22+$0x19790]  }
0x285: {  	v12 =	vld [tilespmem:s22+$0x197A0]  }
0x286: {  	v13 =	vld [tilespmem:s22+$0x197B0]  }
0x287: {  	v14 =	vld [tilespmem:s22+$0x197D0]  }
0x288: {  	v15 =	vld [tilespmem:s22+$0x197E0]  }
0x289: {  	v16 =	vld [tilespmem:s22+$0x197F0]  }
0x28a: {  	v17 =	vld [tilespmem:s22+$0x19800]  }
0x28b: {  	v18 =	vld [tilespmem:s22+$0x19810]  }
0x28c: {  	v19 =	vld [tilespmem:s22+$0x19820]  }
0x28d: {  	v20 =	vld [tilespmem:s22+$0x19830]  }
0x28e: {  	v21 =	vld [tilespmem:s22+$0x19840]  }
0x28f: {  	v22 =	vld [tilespmem:s22+$0x19850]  }
0x290: {  	v23 =	vld [tilespmem:s22+$0x19860]  }
0x291: {  	v24 =	vld [tilespmem:s22+$0x19870]  }
0x292: {  	v25 =	vld [tilespmem:s22+$0x19880]  }
0x293: {  	v26 =	vld [tilespmem:s22+$0x19890]  }
0x294: {  	v27 =	vld [tilespmem:s22+$0x198A0]  }
0x295: {  	v28 =	vld [tilespmem:s22+$0x198B0]  }
0x296: {  	v29 =	vld [tilespmem:s22+$0x198C0]  }
0x297: {  	v30 =	vld [tilespmem:s22+$0x198D0]  }
0x298: {  	v31 =	vld [tilespmem:s22+$0x198E0]  }
0x299: {  	v1 =	vld.idx.msk [tilespmem:v1+s4+$0x0], $0xffff  }
0x29a: {  	v2 =	vld.idx.msk [tilespmem:v2+s4+$0x0], $0xffff  }
0x29b: {  	v3 =	vld.idx.msk [tilespmem:v3+s4+$0x0], $0xffff  }
0x29c: {  	v4 =	vld.idx.msk [tilespmem:v4+s4+$0x0], $0xffff  }
0x29d: {  	v5 =	vld.idx.msk [tilespmem:v5+s4+$0x0], $0xffff  }
0x29e: {  	v6 =	vld.idx.msk [tilespmem:v6+s4+$0x0], $0xffff  }
0x29f: {  	v7 =	vld.idx.msk [tilespmem:v7+s4+$0x0], $0xffff  }
0x2a0: {  	v8 =	vld.idx.msk [tilespmem:v8+s4+$0x0], $0xffff  }
0x2a1: {  	v9 =	vld.idx.msk [tilespmem:v9+s4+$0x0], $0xffff  }
0x2a2: {  	v10 =	vld.idx.msk [tilespmem:v10+s4+$0x0], $0xffff  }
0x2a3: {  	v11 =	vld.idx.msk [tilespmem:v11+s4+$0x0], $0xffff  }
0x2a4: {  	v12 =	vld.idx.msk [tilespmem:v12+s4+$0x0], $0xffff  }
0x2a5: {  	v13 =	vld.idx.msk [tilespmem:v13+s4+$0x0], $0xffff  }
0x2a6: {  	v14 =	vld.idx.msk [tilespmem:v14+s4+$0x0], $0xffff  }
0x2a7: {  	v15 =	vld.idx.msk [tilespmem:v15+s4+$0x0], $0xffff  }
0x2a8: {  	v16 =	vld.idx.msk [tilespmem:v16+s4+$0x0], $0xffff  }
0x2a9: {  	v17 =	vld.idx.msk [tilespmem:v17+s4+$0x0], $0xffff  }
0x2aa: {  	v18 =	vld.idx.msk [tilespmem:v18+s4+$0x0], $0xffff  }
0x2ab: {  	v19 =	vld.idx.msk [tilespmem:v19+s4+$0x0], $0xffff  }
0x2ac: {  	v20 =	vld.idx.msk [tilespmem:v20+s4+$0x0], $0xffff  }
0x2ad: {  	v21 =	vld.idx.msk [tilespmem:v21+s4+$0x0], $0xffff  }
0x2ae: {  	v22 =	vld.idx.msk [tilespmem:v22+s4+$0x0], $0xffff  }
0x2af: {  	v23 =	vld.idx.msk [tilespmem:v23+s4+$0x0], $0xffff  }
0x2b0: {  	v24 =	vld.idx.msk [tilespmem:v24+s4+$0x0], $0xffff  }
0x2b1: {  	v25 =	vld.idx.msk [tilespmem:v25+s4+$0x0], $0xffff  }
0x2b2: {  	v26 =	vld.idx.msk [tilespmem:v26+s4+$0x0], $0xffff  }
0x2b3: {  	v27 =	vld.idx.msk [tilespmem:v27+s4+$0x0], $0xffff  }
0x2b4: {  	v28 =	vld.idx.msk [tilespmem:v28+s4+$0x0], $0xffff  }
0x2b5: {  	v29 =	vld.idx.msk [tilespmem:v29+s4+$0x0], $0xffff  }
0x2b6: {  	v30 =	vld.idx.msk [tilespmem:v30+s4+$0x0], $0xffff  }
0x2b7: {  	[tilespmem:s22+$0x1D8F0] =	vst.add.f32.msk $0xffff, v1  }
0x2b8: {  	v1 =	vld [tilespmem:s22+$0x197C0]  }
0x2b9: {  	[tilespmem:s22+$0x1D700] =	vst.add.f32.msk $0xffff, v2  }
0x2ba: {  	[tilespmem:s22+$0x1D710] =	vst.add.f32.msk $0xffff, v3  }
0x2bb: {  	[tilespmem:s22+$0x1D720] =	vst.add.f32.msk $0xffff, v4  }
0x2bc: {  	[tilespmem:s22+$0x1D730] =	vst.add.f32.msk $0xffff, v5  }
0x2bd: {  	[tilespmem:s22+$0x1D740] =	vst.add.f32.msk $0xffff, v6  }
0x2be: {  	[tilespmem:s22+$0x1D750] =	vst.add.f32.msk $0xffff, v7  }
0x2bf: {  	[tilespmem:s22+$0x1D760] =	vst.add.f32.msk $0xffff, v8  }
0x2c0: {  	[tilespmem:s22+$0x1D770] =	vst.add.f32.msk $0xffff, v9  }
0x2c1: {  	[tilespmem:s22+$0x1D780] =	vst.add.f32.msk $0xffff, v10  }
0x2c2: {  	[tilespmem:s22+$0x1D790] =	vst.add.f32.msk $0xffff, v11  }
0x2c3: {  	[tilespmem:s22+$0x1D7A0] =	vst.add.f32.msk $0xffff, v12  }
0x2c4: {  	[tilespmem:s22+$0x1D7B0] =	vst.add.f32.msk $0xffff, v13  }
0x2c5: {  	[tilespmem:s22+$0x1D7D0] =	vst.add.f32.msk $0xffff, v14  }
0x2c6: {  	[tilespmem:s22+$0x1D7E0] =	vst.add.f32.msk $0xffff, v15  }
0x2c7: {  	[tilespmem:s22+$0x1D7F0] =	vst.add.f32.msk $0xffff, v16  }
0x2c8: {  	[tilespmem:s22+$0x1D800] =	vst.add.f32.msk $0xffff, v17  }
0x2c9: {  	[tilespmem:s22+$0x1D810] =	vst.add.f32.msk $0xffff, v18  }
0x2ca: {  	[tilespmem:s22+$0x1D820] =	vst.add.f32.msk $0xffff, v19  }
0x2cb: {  	[tilespmem:s22+$0x1D830] =	vst.add.f32.msk $0xffff, v20  }
0x2cc: {  	[tilespmem:s22+$0x1D840] =	vst.add.f32.msk $0xffff, v21  }
0x2cd: {  	[tilespmem:s22+$0x1D850] =	vst.add.f32.msk $0xffff, v22  }
0x2ce: {  	[tilespmem:s22+$0x1D860] =	vst.add.f32.msk $0xffff, v23  }
0x2cf: {  	[tilespmem:s22+$0x1D870] =	vst.add.f32.msk $0xffff, v24  }
0x2d0: {  	[tilespmem:s22+$0x1D880] =	vst.add.f32.msk $0xffff, v25  }
0x2d1: {  	[tilespmem:s22+$0x1D890] =	vst.add.f32.msk $0xffff, v26  }
0x2d2: {  	[tilespmem:s22+$0x1D8A0] =	vst.add.f32.msk $0xffff, v27  }
0x2d3: {  	v32 =	vld.idx.msk [tilespmem:v1+s4+$0x0], $0xffff  }
0x2d4: {  	v1 =	vld.idx.msk [tilespmem:v31+s4+$0x0], $0xffff  }
0x2d5: {  	[tilespmem:s22+$0x1D8B0] =	vst.add.f32.msk $0xffff, v28  }
0x2d6: {  	[tilespmem:s22+$0x1D8C0] =	vst.add.f32.msk $0xffff, v29  }
0x2d7: {  	[tilespmem:s22+$0x1D8D0] =	vst.add.f32.msk $0xffff, v30  }
0x2d8: {  	s23 =	simm.s32 $0x0;
	s24 =	simm.s32 $0x800;
	[tilespmem:s22+$0x1D7C0] =	vst.add.f32.msk $0xffff, v32  }
.LBB2_11:
0x2d9: {  	s23 =	sadd.s32 $0x20, s23;
	[tilespmem:s22+$0x1D8E0] =	vst.add.f32.msk $0xffff, v1;
	s22 =	sshra.s32 s24, $0x2  }
0x2da: {  	v1 =	vld [tilespmem:s22+$0x198F0];
	p0 =	slt.u32 s23, $0xE0  }
0x2db: {  	v2 =	vld [tilespmem:s22+$0x19700]  }
0x2dc: {  	v3 =	vld [tilespmem:s22+$0x19710]  }
0x2dd: {  	v4 =	vld [tilespmem:s22+$0x19720]  }
0x2de: {  	v5 =	vld [tilespmem:s22+$0x19730]  }
0x2df: {  	v6 =	vld [tilespmem:s22+$0x19740]  }
0x2e0: {  	v7 =	vld [tilespmem:s22+$0x19750]  }
0x2e1: {  	v8 =	vld [tilespmem:s22+$0x19760]  }
0x2e2: {  	v1 =	vld.idx.msk [tilespmem:v1+s4+$0x0], $0xffff  }
0x2e3: {  	v9 =	vld [tilespmem:s22+$0x19770]  }
0x2e4: {  	v10 =	vld [tilespmem:s22+$0x19780]  }
0x2e5: {  	v11 =	vld [tilespmem:s22+$0x19790]  }
0x2e6: {  	v12 =	vld [tilespmem:s22+$0x197A0]  }
0x2e7: {  	v13 =	vld [tilespmem:s22+$0x197B0]  }
0x2e8: {  	[tilespmem:s22+$0x1D8F0] =	vst.add.f32.msk $0xffff, v1  }
0x2e9: {  	v1 =	vld [tilespmem:s22+$0x197C0]  }
0x2ea: {  	v14 =	vld [tilespmem:s22+$0x197D0]  }
0x2eb: {  	v15 =	vld [tilespmem:s22+$0x197E0]  }
0x2ec: {  	v16 =	vld [tilespmem:s22+$0x197F0]  }
0x2ed: {  	v17 =	vld [tilespmem:s22+$0x19800]  }
0x2ee: {  	v18 =	vld [tilespmem:s22+$0x19810]  }
0x2ef: {  	v19 =	vld [tilespmem:s22+$0x19820]  }
0x2f0: {  	v20 =	vld [tilespmem:s22+$0x19830]  }
0x2f1: {  	v21 =	vld [tilespmem:s22+$0x19840]  }
0x2f2: {  	v22 =	vld [tilespmem:s22+$0x19850]  }
0x2f3: {  	v23 =	vld [tilespmem:s22+$0x19860]  }
0x2f4: {  	v24 =	vld [tilespmem:s22+$0x19870]  }
0x2f5: {  	v25 =	vld [tilespmem:s22+$0x19880]  }
0x2f6: {  	v26 =	vld [tilespmem:s22+$0x19890]  }
0x2f7: {  	v27 =	vld [tilespmem:s22+$0x198A0]  }
0x2f8: {  	v28 =	vld [tilespmem:s22+$0x198B0]  }
0x2f9: {  	v29 =	vld [tilespmem:s22+$0x198C0]  }
0x2fa: {  	v30 =	vld [tilespmem:s22+$0x198D0]  }
0x2fb: {  	v31 =	vld [tilespmem:s22+$0x198E0]  }
0x2fc: {  	v2 =	vld.idx.msk [tilespmem:v2+s4+$0x0], $0xffff  }
0x2fd: {  	v3 =	vld.idx.msk [tilespmem:v3+s4+$0x0], $0xffff  }
0x2fe: {  	v4 =	vld.idx.msk [tilespmem:v4+s4+$0x0], $0xffff  }
0x2ff: {  	v5 =	vld.idx.msk [tilespmem:v5+s4+$0x0], $0xffff  }
0x300: {  	v6 =	vld.idx.msk [tilespmem:v6+s4+$0x0], $0xffff  }
0x301: {  	v7 =	vld.idx.msk [tilespmem:v7+s4+$0x0], $0xffff  }
0x302: {  	v8 =	vld.idx.msk [tilespmem:v8+s4+$0x0], $0xffff  }
0x303: {  	v9 =	vld.idx.msk [tilespmem:v9+s4+$0x0], $0xffff  }
0x304: {  	v10 =	vld.idx.msk [tilespmem:v10+s4+$0x0], $0xffff  }
0x305: {  	v11 =	vld.idx.msk [tilespmem:v11+s4+$0x0], $0xffff  }
0x306: {  	v12 =	vld.idx.msk [tilespmem:v12+s4+$0x0], $0xffff  }
0x307: {  	v13 =	vld.idx.msk [tilespmem:v13+s4+$0x0], $0xffff  }
0x308: {  	v32 =	vld.idx.msk [tilespmem:v1+s4+$0x0], $0xffff  }
0x309: {  	v14 =	vld.idx.msk [tilespmem:v14+s4+$0x0], $0xffff  }
0x30a: {  	v15 =	vld.idx.msk [tilespmem:v15+s4+$0x0], $0xffff  }
0x30b: {  	v16 =	vld.idx.msk [tilespmem:v16+s4+$0x0], $0xffff  }
0x30c: {  	v17 =	vld.idx.msk [tilespmem:v17+s4+$0x0], $0xffff  }
0x30d: {  	v18 =	vld.idx.msk [tilespmem:v18+s4+$0x0], $0xffff  }
0x30e: {  	v19 =	vld.idx.msk [tilespmem:v19+s4+$0x0], $0xffff  }
0x30f: {  	v20 =	vld.idx.msk [tilespmem:v20+s4+$0x0], $0xffff  }
0x310: {  	v21 =	vld.idx.msk [tilespmem:v21+s4+$0x0], $0xffff  }
0x311: {  	v22 =	vld.idx.msk [tilespmem:v22+s4+$0x0], $0xffff  }
0x312: {  	v23 =	vld.idx.msk [tilespmem:v23+s4+$0x0], $0xffff  }
0x313: {  	v24 =	vld.idx.msk [tilespmem:v24+s4+$0x0], $0xffff  }
0x314: {  	v25 =	vld.idx.msk [tilespmem:v25+s4+$0x0], $0xffff  }
0x315: {  	v26 =	vld.idx.msk [tilespmem:v26+s4+$0x0], $0xffff  }
0x316: {  	v27 =	vld.idx.msk [tilespmem:v27+s4+$0x0], $0xffff  }
0x317: {  	v28 =	vld.idx.msk [tilespmem:v28+s4+$0x0], $0xffff  }
0x318: {  	v29 =	vld.idx.msk [tilespmem:v29+s4+$0x0], $0xffff  }
0x319: {  	v30 =	vld.idx.msk [tilespmem:v30+s4+$0x0], $0xffff  }
0x31a: {  	v1 =	vld.idx.msk [tilespmem:v31+s4+$0x0], $0xffff  }
0x31b: {  	[tilespmem:s22+$0x1D700] =	vst.add.f32.msk $0xffff, v2  }
0x31c: {  	[tilespmem:s22+$0x1D710] =	vst.add.f32.msk $0xffff, v3  }
0x31d: {  	[tilespmem:s22+$0x1D720] =	vst.add.f32.msk $0xffff, v4  }
0x31e: {  	[tilespmem:s22+$0x1D730] =	vst.add.f32.msk $0xffff, v5  }
0x31f: {  	[tilespmem:s22+$0x1D740] =	vst.add.f32.msk $0xffff, v6  }
0x320: {  	[tilespmem:s22+$0x1D750] =	vst.add.f32.msk $0xffff, v7  }
0x321: {  	[tilespmem:s22+$0x1D760] =	vst.add.f32.msk $0xffff, v8  }
0x322: {  	[tilespmem:s22+$0x1D770] =	vst.add.f32.msk $0xffff, v9  }
0x323: {  	[tilespmem:s22+$0x1D780] =	vst.add.f32.msk $0xffff, v10  }
0x324: {  	[tilespmem:s22+$0x1D790] =	vst.add.f32.msk $0xffff, v11  }
0x325: {  	[tilespmem:s22+$0x1D7A0] =	vst.add.f32.msk $0xffff, v12  }
0x326: {  	[tilespmem:s22+$0x1D7B0] =	vst.add.f32.msk $0xffff, v13  }
0x327: {  	[tilespmem:s22+$0x1D7C0] =	vst.add.f32.msk $0xffff, v32  }
0x328: {  	[tilespmem:s22+$0x1D7D0] =	vst.add.f32.msk $0xffff, v14  }
0x329: {  	[tilespmem:s22+$0x1D7E0] =	vst.add.f32.msk $0xffff, v15  }
0x32a: {  	[tilespmem:s22+$0x1D7F0] =	vst.add.f32.msk $0xffff, v16  }
0x32b: {  	[tilespmem:s22+$0x1D800] =	vst.add.f32.msk $0xffff, v17  }
0x32c: {  	[tilespmem:s22+$0x1D810] =	vst.add.f32.msk $0xffff, v18  }
0x32d: {  	[tilespmem:s22+$0x1D820] =	vst.add.f32.msk $0xffff, v19  }
0x32e: {  	[tilespmem:s22+$0x1D830] =	vst.add.f32.msk $0xffff, v20  }
0x32f: {  	[tilespmem:s22+$0x1D840] =	vst.add.f32.msk $0xffff, v21  }
0x330: {  	[tilespmem:s22+$0x1D850] =	vst.add.f32.msk $0xffff, v22  }
0x331: {  	[tilespmem:s22+$0x1D860] =	vst.add.f32.msk $0xffff, v23  }
0x332: {  	[tilespmem:s22+$0x1D870] =	vst.add.f32.msk $0xffff, v24  }
0x333: {  	[tilespmem:s22+$0x1D880] =	vst.add.f32.msk $0xffff, v25  }
.Ltmp4:
0x334: {  	[tilespmem:s22+$0x1D890] =	vst.add.f32.msk $0xffff, v26;
	(pc) =	sbr.rel @p0 .LBB2_11-.Ltmp4, $4  }
0x335: {  	[tilespmem:s22+$0x1D8A0] =	vst.add.f32.msk $0xffff, v27  }
0x336: {  	[tilespmem:s22+$0x1D8B0] =	vst.add.f32.msk $0xffff, v28  }
0x337: {  	[tilespmem:s22+$0x1D8C0] =	vst.add.f32.msk $0xffff, v29  }
0x338: {  	s24 =	sadd.s32 $0x800, s24;
	[tilespmem:s22+$0x1D8D0] =	vst.add.f32.msk $0xffff, v30  }
0x339: {  	s21 =	sadd.s32 $0x1, s21  }
0x33a: {  	p0 =	sne.s32 s21, $0x1A  }
.Ltmp5:
0x33b: {  	_ = 	snop;
	(pc) =	sbr.rel @p0 .LBB2_4-.Ltmp5, $2  }
0x33c: {  	_ =	sdelay $0x2  }
0x33d: {  	[tilespmem:s22+$0x1D8E0] =	vst.add.f32.msk $0xffff, v1  }
0x33e: {  	s19 =	sadd.s32 $0x1, s19  }
0x33f: {  	p0 =	sne.s32 s19, s10  }
.Ltmp6:
0x340: {  	_ = 	snop;
	(pc) =	sbr.rel @p0 .LBB2_1-.Ltmp6, $4  }
0x341: {  	[hbm4b:s9+s11] =	stream.strided.scatter [tilespmem:s18], [sflag:$0x3], $0x4000, s12, s11, $0x38;
	[tilespmem:$0x1E700] =	vst v63  }
0x342: {  	_ =	swait.ge [sflag:s14], $0x4000  }
0x343: {  	[sflag:s14] =	ssyncset.done $0x0  }
0x344: {  	[sflag:s14] =	ssyncadd.s32 $0xFFFFC000  }
0x345: {  	_ =	sfence.sel $0x180000  }
0x346: {  	[bflag:$0x0] =	sbarrier.arrive $0xFFFF  }
0x347: {  	p0 =	sne.s32 s2, $0x0;
	_ =	strace $0x90000047  }
0x348: {  	s0 =	sadd.s32 @!p0 $0x100000, s1;
	[bflag:$0x2] =	sbarrier.arrive $0xFFFF  }
0x349: {  	[sflag:s0] =	ssyncadd.tile.s32 @!p0 $0x1;
	_ =	shalt  }
.Lfunc_end2:
_tile_overlayer_lowered:
.L_overlay_start_2:
0x34a: {  	(tag) =	ssettag $0x2  }
0x34b: {  	s0 =	rddreg [dreg:$0x0];
	s2 =	stileid.u32  }
0x34c: {  	s1 =	rddreg [dreg:$0x1];
	p0 =	sne.s32 s2, $0x0  }
0x34d: {  	s3 =	rddreg [dreg:$0x2];
	[bflag:$0x3] =	sbarrier.arrive $0xFFFF;
	s2 =	simm.s32 @!p0 $0x1C03  }
0x34e: {  	[timem:s3], [sflag:s2] =	dma.local @!p0 [hbm:s0], s1  }
0x34f: {  	s0 =	simm.s32 @!p0 $0x3  }
0x350: {  	_ =	swait.ge @!p0 [sflag:s0], s1  }
0x351: {  	s1 =	ssub.s32 @!p0 $0x0, s1;
	[sflag:s0] =	ssyncset.done @!p0 $0x0  }
0x352: {  	[sflag:s0] =	ssyncadd.s32 @!p0 s1  }
0x353: {  	[bflag:$0x3] =	sbarrier.arrive $0xFFFF  }
0x354: {  	_ =	shalt  }

</sc_bundles>
